<compile_context>
chip_gen: v7x
topology: tpu7x:2x2x1
jax: 0.10.2.dev20260603
libtpu: 0.0.44.dev20260713+nightly
codegen_flags: <defaults>
</compile_context>

<pallas_src>
import functools

import jax
import jax.numpy as jnp
from jax import lax
from jax.experimental import pallas as pl
from jax.experimental.pallas import tpu as pltpu
from jax.experimental.pallas import tpu_sc as plsc

B = 16384
D = 128
L = 16
NC, NS = 2, 16
NW = NC * NS
BPW = B // NW
CHUNK = 64
NCHUNK = BPW // CHUNK
G = CHUNK // L
RING = 4
PRIME = RING - 1


def _gmf_body(uv_hbm, iv_hbm, ut_hbm, it_hbm, w_hbm, b_hbm, out_hbm,
              uidx_v, iidx_v, w_v, b_v, ubufs, ibufs, obufs,
              sau, sai, saw, sab, sus, sis, sos):
    wid = lax.axis_index("s") * NC + lax.axis_index("c")
    base = wid * BPW

    cu0 = pltpu.make_async_copy(uv_hbm.at[pl.ds(base, BPW)], uidx_v, sau)
    ci0 = pltpu.make_async_copy(iv_hbm.at[pl.ds(base, BPW)], iidx_v, sai)
    cu0.start()
    ci0.start()

    def start(c, slot):
        off = pl.multiple_of(c * CHUNK, CHUNK)
        pltpu.make_async_copy(
            ut_hbm.at[uidx_v.at[pl.ds(off, CHUNK)]], ubufs[slot],
            sus[slot]).start()
        pltpu.make_async_copy(
            it_hbm.at[iidx_v.at[pl.ds(off, CHUNK)]], ibufs[slot],
            sis[slot]).start()

    cw = pltpu.make_async_copy(w_hbm, w_v, saw)
    cb = pltpu.make_async_copy(b_hbm, b_v, sab)
    cw.start()
    cb.start()
    cu0.wait()
    ci0.wait()
    for s in range(PRIME):
        start(s, s)
    cw.wait()
    cb.wait()

    row0 = lax.broadcasted_iota(jnp.int32, (L,), 0)
    row_ids = [row0 + g * L for g in range(G)]
    zeros = tuple(jnp.zeros((L,), jnp.float32) for _ in range(G))
    bvec = plsc.load_gather(b_v, [jnp.zeros((L,), jnp.int32)])

    @pl.loop(0, NCHUNK, step=RING)
    def _chunk_quad(c0):
        for slot in range(RING):
            c = c0 + slot
            ub, ib, ob = ubufs[slot], ibufs[slot], obufs[slot]

            @pl.when(c + PRIME < NCHUNK)
            def _():
                start(c + PRIME, (slot + PRIME) % RING)

            pltpu.make_async_copy(
                ut_hbm.at[uidx_v.at[pl.ds(0, CHUNK)]], ub, sus[slot]).wait()
            pltpu.make_async_copy(
                it_hbm.at[uidx_v.at[pl.ds(0, CHUNK)]], ib, sis[slot]).wait()

            def dbody(d, accs, ub=ub, ib=ib):
                col = (row0 + d) & (D - 1)
                wb = plsc.load_gather(w_v, [col])
                new = []
                for g in range(G):
                    uvals = plsc.load_gather(ub, [row_ids[g], col])
                    ivals = plsc.load_gather(ib, [row_ids[g], col])
                    new.append(accs[g] + uvals * ivals * wb)
                return tuple(new)

            accs = plsc.parallel_loop(0, D, carry=zeros)(dbody)

            @pl.when(c >= RING)
            def _():
                pltpu.make_async_copy(
                    ob, out_hbm.at[pl.ds(0, CHUNK)], sos[slot]).wait()

            for g in range(G):
                logits = accs[g] + bvec
                ob[pl.ds(g * L, L)] = 1.0 / (1.0 + jnp.exp(-logits))
            pltpu.make_async_copy(
                ob, out_hbm.at[pl.ds(pl.multiple_of(base + c * CHUNK, CHUNK),
                                     CHUNK)], sos[slot]).start()

    for s in range(RING):
        pltpu.make_async_copy(
            obufs[s], out_hbm.at[pl.ds(0, CHUNK)], sos[s]).wait()


@jax.jit
def kernel(user_vector, item_vector, user_table, item_table, h_w, h_b):
    mesh = plsc.VectorSubcoreMesh(core_axis_name="c", subcore_axis_name="s",
                                  num_cores=NC, num_subcores=NS)
    k = pl.kernel(
        _gmf_body,
        out_type=jax.ShapeDtypeStruct((B,), jnp.float32),
        mesh=mesh,
        scratch_types=[
            pltpu.VMEM((BPW,), jnp.int32),
            pltpu.VMEM((BPW,), jnp.int32),
            pltpu.VMEM((D,), jnp.float32),
            pltpu.VMEM((1,), jnp.float32),
            [pltpu.VMEM((CHUNK, D), jnp.float32) for _ in range(RING)],
            [pltpu.VMEM((CHUNK, D), jnp.float32) for _ in range(RING)],
            [pltpu.VMEM((CHUNK,), jnp.float32) for _ in range(RING)],
            pltpu.SemaphoreType.DMA,
            pltpu.SemaphoreType.DMA,
            pltpu.SemaphoreType.DMA,
            pltpu.SemaphoreType.DMA,
            [pltpu.SemaphoreType.DMA for _ in range(RING)],
            [pltpu.SemaphoreType.DMA for _ in range(RING)],
            [pltpu.SemaphoreType.DMA for _ in range(RING)],
        ],
        compiler_params=pltpu.CompilerParams(needs_layout_passes=False),
        name="gmf_sc",
    )
    out = k(user_vector.astype(jnp.int32), item_vector.astype(jnp.int32),
            user_table, item_table,
            h_w.reshape(D).astype(jnp.float32),
            h_b.astype(jnp.float32).reshape(1))
    return out.reshape(B, 1)

# --- scband reference (transcript-rebuilt; emitter-appended) ---
"""Pipeline reference for scband-gmf-65506841199100 (READ-ONLY COPY).

The authoritative reference and input builder live on the scoring server;
editing this copy changes nothing except your own understanding.
"""

import jax, jax.numpy as jnp
import numpy as np

N_USERS = 100000
N_ITEMS = 100000
LATENT_DIM = 128
BATCH = 16384

def setup_inputs(seed: int = 0) -> dict:
    key = jax.random.key(seed)
    k1, k2, k3, k4, k5, k6 = jax.random.split(key, 6)
    user_vector = jax.random.randint(k1, (BATCH,), 0, N_USERS, dtype=jnp.int64 if jax.config.jax_enable_x64 else jnp.int32)
    item_vector = jax.random.randint(k2, (BATCH,), 0, N_ITEMS, dtype=jnp.int64 if jax.config.jax_enable_x64 else jnp.int32)
    user_table = jax.random.normal(k3, (N_USERS, LATENT_DIM), dtype=jnp.float32)
    item_table = jax.random.normal(k4, (N_ITEMS, LATENT_DIM), dtype=jnp.float32)
    # torch.nn.Linear(latent_dim, 1): weight [1, latent_dim], bias [1]
    h_w = jax.random.normal(k5, (1, LATENT_DIM), dtype=jnp.float32) * (1.0 / np.sqrt(LATENT_DIM))
    h_b = jax.random.normal(k6, (1,), dtype=jnp.float32) * 0.01
    return {"user_vector": user_vector, "item_vector": item_vector,
            "user_table": user_table, "item_table": item_table,
            "h_w": h_w, "h_b": h_b}

def reference(user_vector, item_vector, user_table, item_table, h_w, h_b):
    user_embedding = jnp.take(user_table, user_vector, axis=0)  # [B, D]
    item_embedding = jnp.take(item_table, item_vector, axis=0)  # [B, D]
    mf = user_embedding * item_embedding                         # [B, D]
    logits = mf @ h_w.T + h_b                                    # [B, 1]
    out = jax.nn.sigmoid(logits)
    return out

if __name__ == "__main__":
    import jax
    _d = setup_inputs()
    print(jax.jit(kernel)(*tuple(_d.values())))

</pallas_src>

<mosaic_0001>
#map = affine_map<(d0, d1) -> (0)>
#map1 = affine_map<(d0, d1) -> (0, 0)>
module attributes {stable_mosaic.version = 14 : i64} {
  func.func @gmf_sc(%arg0: i32, %arg1: i32, %arg2: memref<16384xi32, #tpu.memory_space<hbm>>, %arg3: memref<16384xi32, #tpu.memory_space<hbm>>, %arg4: memref<100000x128xf32, #tpu.memory_space<hbm>>, %arg5: memref<100000x128xf32, #tpu.memory_space<hbm>>, %arg6: memref<128xf32, #tpu.memory_space<hbm>>, %arg7: memref<1xf32, #tpu.memory_space<hbm>>, %arg8: memref<16384xf32, #tpu.memory_space<hbm>>, %arg9: memref<512xi32, #tpu.memory_space<vmem>>, %arg10: memref<512xi32, #tpu.memory_space<vmem>>, %arg11: memref<128xf32, #tpu.memory_space<vmem>>, %arg12: memref<1xf32, #tpu.memory_space<vmem>>, %arg13: memref<64x128xf32, #tpu.memory_space<vmem>>, %arg14: memref<64x128xf32, #tpu.memory_space<vmem>>, %arg15: memref<64x128xf32, #tpu.memory_space<vmem>>, %arg16: memref<64x128xf32, #tpu.memory_space<vmem>>, %arg17: memref<64x128xf32, #tpu.memory_space<vmem>>, %arg18: memref<64x128xf32, #tpu.memory_space<vmem>>, %arg19: memref<64x128xf32, #tpu.memory_space<vmem>>, %arg20: memref<64x128xf32, #tpu.memory_space<vmem>>, %arg21: memref<64xf32, #tpu.memory_space<vmem>>, %arg22: memref<64xf32, #tpu.memory_space<vmem>>, %arg23: memref<64xf32, #tpu.memory_space<vmem>>, %arg24: memref<64xf32, #tpu.memory_space<vmem>>, %arg25: memref<!tpu.dma_semaphore, #tpu.memory_space<semaphore_mem>>, %arg26: memref<!tpu.dma_semaphore, #tpu.memory_space<semaphore_mem>>, %arg27: memref<!tpu.dma_semaphore, #tpu.memory_space<semaphore_mem>>, %arg28: memref<!tpu.dma_semaphore, #tpu.memory_space<semaphore_mem>>, %arg29: memref<!tpu.dma_semaphore, #tpu.memory_space<semaphore_mem>>, %arg30: memref<!tpu.dma_semaphore, #tpu.memory_space<semaphore_mem>>, %arg31: memref<!tpu.dma_semaphore, #tpu.memory_space<semaphore_mem>>, %arg32: memref<!tpu.dma_semaphore, #tpu.memory_space<semaphore_mem>>, %arg33: memref<!tpu.dma_semaphore, #tpu.memory_space<semaphore_mem>>, %arg34: memref<!tpu.dma_semaphore, #tpu.memory_space<semaphore_mem>>, %arg35: memref<!tpu.dma_semaphore, #tpu.memory_space<semaphore_mem>>, %arg36: memref<!tpu.dma_semaphore, #tpu.memory_space<semaphore_mem>>, %arg37: memref<!tpu.dma_semaphore, #tpu.memory_space<semaphore_mem>>, %arg38: memref<!tpu.dma_semaphore, #tpu.memory_space<semaphore_mem>>, %arg39: memref<!tpu.dma_semaphore, #tpu.memory_space<semaphore_mem>>, %arg40: memref<!tpu.dma_semaphore, #tpu.memory_space<semaphore_mem>>) attributes {dimension_semantics = [#tpu.dimension_semantics<core_parallel>, #tpu.dimension_semantics<subcore_parallel>], iteration_bounds = array<i64: 2, 16>, scalar_prefetch = 0 : i64, scratch_operands = 32 : i64, tpu.core_type = #tpu.core_type<sc_vector_subcore>, window_params = [{transform_indices = #map}, {transform_indices = #map}, {transform_indices = #map1}, {transform_indices = #map1}, {transform_indices = #map}, {transform_indices = #map}, {transform_indices = #map}]} {
    %mul3A = arith.constant 2 : i32
    %mul3A_0 = arith.muli %arg1, %mul3A : i32
    %add3A = arith.addi %mul3A_0, %arg0 : i32
    %mul3A_1 = arith.constant 512 : i32
    %mul3A_2 = arith.muli %add3A, %mul3A_1 : i32
    %dma_start3A = tpu.memref_slice %arg2[%mul3A_2] : memref<16384xi32, #tpu.memory_space<hbm>> -> memref<512xi32, #tpu.memory_space<hbm>>
    %dma_start3A_3 = tpu.memref_slice %arg2[%mul3A_2] : memref<16384xi32, #tpu.memory_space<hbm>> -> memref<512xi32, #tpu.memory_space<hbm>>
    tpu.enqueue_dma source(%dma_start3A_3 : memref<512xi32, #tpu.memory_space<hbm>>) target(%arg9 : memref<512xi32, #tpu.memory_space<vmem>>) target_semaphore(%arg25 : memref<!tpu.dma_semaphore, #tpu.memory_space<semaphore_mem>>)
    %dma_start3A_4 = tpu.memref_slice %arg3[%mul3A_2] : memref<16384xi32, #tpu.memory_space<hbm>> -> memref<512xi32, #tpu.memory_space<hbm>>
    %dma_start3A_5 = tpu.memref_slice %arg3[%mul3A_2] : memref<16384xi32, #tpu.memory_space<hbm>> -> memref<512xi32, #tpu.memory_space<hbm>>
    tpu.enqueue_dma source(%dma_start3A_5 : memref<512xi32, #tpu.memory_space<hbm>>) target(%arg10 : memref<512xi32, #tpu.memory_space<vmem>>) target_semaphore(%arg26 : memref<!tpu.dma_semaphore, #tpu.memory_space<semaphore_mem>>)
    tpu.enqueue_dma source(%arg6 : memref<128xf32, #tpu.memory_space<hbm>>) target(%arg11 : memref<128xf32, #tpu.memory_space<vmem>>) target_semaphore(%arg27 : memref<!tpu.dma_semaphore, #tpu.memory_space<semaphore_mem>>)
    tpu.enqueue_dma source(%arg7 : memref<1xf32, #tpu.memory_space<hbm>>) target(%arg12 : memref<1xf32, #tpu.memory_space<vmem>>) target_semaphore(%arg28 : memref<!tpu.dma_semaphore, #tpu.memory_space<semaphore_mem>>)
    %dma_wait3A = tpu.memref_slice %arg2[%mul3A_2] : memref<16384xi32, #tpu.memory_space<hbm>> -> memref<512xi32, #tpu.memory_space<hbm>>
    %dma_wait3A_6 = tpu.memref_slice %arg2[%mul3A_2] : memref<16384xi32, #tpu.memory_space<hbm>> -> memref<512xi32, #tpu.memory_space<hbm>>
    tpu.wait_dma2 semaphore(%arg25 : memref<!tpu.dma_semaphore, #tpu.memory_space<semaphore_mem>>) src(%dma_wait3A_6 : memref<512xi32, #tpu.memory_space<hbm>>) dst(%arg9 : memref<512xi32, #tpu.memory_space<vmem>>)
    %dma_wait3A_7 = tpu.memref_slice %arg3[%mul3A_2] : memref<16384xi32, #tpu.memory_space<hbm>> -> memref<512xi32, #tpu.memory_space<hbm>>
    %dma_wait3A_8 = tpu.memref_slice %arg3[%mul3A_2] : memref<16384xi32, #tpu.memory_space<hbm>> -> memref<512xi32, #tpu.memory_space<hbm>>
    tpu.wait_dma2 semaphore(%arg26 : memref<!tpu.dma_semaphore, #tpu.memory_space<semaphore_mem>>) src(%dma_wait3A_8 : memref<512xi32, #tpu.memory_space<hbm>>) dst(%arg10 : memref<512xi32, #tpu.memory_space<vmem>>)
    %multiple_of3A = arith.constant 0 : i32
    %multiple_of3A_9 = tpu.assume_multiple %multiple_of3A, 64 : i32
    %dma_start3A_10 = tpu.memref_slice %arg9[%multiple_of3A_9] : memref<512xi32, #tpu.memory_space<vmem>> -> memref<64xi32, #tpu.memory_space<vmem>>
    %dma_start3A_11 = arith.constant 0 : i32
    %dma_start3A_12 = arith.constant 0 : i32
    %dma_start3A_13 = tpu.memref_slice %arg4[%dma_start3A_11, %dma_start3A_12] : memref<100000x128xf32, #tpu.memory_space<hbm>> -> memref<100000x128xf32, #tpu.memory_space<hbm>>
    tpu.enqueue_indirect_dma source(%dma_start3A_13 : memref<100000x128xf32, #tpu.memory_space<hbm>>) target(%arg13 : memref<64x128xf32, #tpu.memory_space<vmem>>) offsets(%dma_start3A_10 : memref<64xi32, #tpu.memory_space<vmem>>) semaphore(%arg29 : memref<!tpu.dma_semaphore, #tpu.memory_space<semaphore_mem>>)
    %dma_start3A_14 = tpu.memref_slice %arg10[%multiple_of3A_9] : memref<512xi32, #tpu.memory_space<vmem>> -> memref<64xi32, #tpu.memory_space<vmem>>
    %dma_start3A_15 = arith.constant 0 : i32
    %dma_start3A_16 = arith.constant 0 : i32
    %dma_start3A_17 = tpu.memref_slice %arg5[%dma_start3A_15, %dma_start3A_16] : memref<100000x128xf32, #tpu.memory_space<hbm>> -> memref<100000x128xf32, #tpu.memory_space<hbm>>
    tpu.enqueue_indirect_dma source(%dma_start3A_17 : memref<100000x128xf32, #tpu.memory_space<hbm>>) target(%arg17 : memref<64x128xf32, #tpu.memory_space<vmem>>) offsets(%dma_start3A_14 : memref<64xi32, #tpu.memory_space<vmem>>) semaphore(%arg33 : memref<!tpu.dma_semaphore, #tpu.memory_space<semaphore_mem>>)
    %multiple_of3A_18 = arith.constant 64 : i32
    %multiple_of3A_19 = tpu.assume_multiple %multiple_of3A_18, 64 : i32
    %dma_start3A_20 = tpu.memref_slice %arg9[%multiple_of3A_19] : memref<512xi32, #tpu.memory_space<vmem>> -> memref<64xi32, #tpu.memory_space<vmem>>
    %dma_start3A_21 = arith.constant 0 : i32
    %dma_start3A_22 = arith.constant 0 : i32
    %dma_start3A_23 = tpu.memref_slice %arg4[%dma_start3A_21, %dma_start3A_22] : memref<100000x128xf32, #tpu.memory_space<hbm>> -> memref<100000x128xf32, #tpu.memory_space<hbm>>
    tpu.enqueue_indirect_dma source(%dma_start3A_23 : memref<100000x128xf32, #tpu.memory_space<hbm>>) target(%arg14 : memref<64x128xf32, #tpu.memory_space<vmem>>) offsets(%dma_start3A_20 : memref<64xi32, #tpu.memory_space<vmem>>) semaphore(%arg30 : memref<!tpu.dma_semaphore, #tpu.memory_space<semaphore_mem>>)
    %dma_start3A_24 = tpu.memref_slice %arg10[%multiple_of3A_19] : memref<512xi32, #tpu.memory_space<vmem>> -> memref<64xi32, #tpu.memory_space<vmem>>
    %dma_start3A_25 = arith.constant 0 : i32
    %dma_start3A_26 = arith.constant 0 : i32
    %dma_start3A_27 = tpu.memref_slice %arg5[%dma_start3A_25, %dma_start3A_26] : memref<100000x128xf32, #tpu.memory_space<hbm>> -> memref<100000x128xf32, #tpu.memory_space<hbm>>
    tpu.enqueue_indirect_dma source(%dma_start3A_27 : memref<100000x128xf32, #tpu.memory_space<hbm>>) target(%arg18 : memref<64x128xf32, #tpu.memory_space<vmem>>) offsets(%dma_start3A_24 : memref<64xi32, #tpu.memory_space<vmem>>) semaphore(%arg34 : memref<!tpu.dma_semaphore, #tpu.memory_space<semaphore_mem>>)
    %multiple_of3A_28 = arith.constant 128 : i32
    %multiple_of3A_29 = tpu.assume_multiple %multiple_of3A_28, 64 : i32
    %dma_start3A_30 = tpu.memref_slice %arg9[%multiple_of3A_29] : memref<512xi32, #tpu.memory_space<vmem>> -> memref<64xi32, #tpu.memory_space<vmem>>
    %dma_start3A_31 = arith.constant 0 : i32
    %dma_start3A_32 = arith.constant 0 : i32
    %dma_start3A_33 = tpu.memref_slice %arg4[%dma_start3A_31, %dma_start3A_32] : memref<100000x128xf32, #tpu.memory_space<hbm>> -> memref<100000x128xf32, #tpu.memory_space<hbm>>
    tpu.enqueue_indirect_dma source(%dma_start3A_33 : memref<100000x128xf32, #tpu.memory_space<hbm>>) target(%arg15 : memref<64x128xf32, #tpu.memory_space<vmem>>) offsets(%dma_start3A_30 : memref<64xi32, #tpu.memory_space<vmem>>) semaphore(%arg31 : memref<!tpu.dma_semaphore, #tpu.memory_space<semaphore_mem>>)
    %dma_start3A_34 = tpu.memref_slice %arg10[%multiple_of3A_29] : memref<512xi32, #tpu.memory_space<vmem>> -> memref<64xi32, #tpu.memory_space<vmem>>
    %dma_start3A_35 = arith.constant 0 : i32
    %dma_start3A_36 = arith.constant 0 : i32
    %dma_start3A_37 = tpu.memref_slice %arg5[%dma_start3A_35, %dma_start3A_36] : memref<100000x128xf32, #tpu.memory_space<hbm>> -> memref<100000x128xf32, #tpu.memory_space<hbm>>
    tpu.enqueue_indirect_dma source(%dma_start3A_37 : memref<100000x128xf32, #tpu.memory_space<hbm>>) target(%arg19 : memref<64x128xf32, #tpu.memory_space<vmem>>) offsets(%dma_start3A_34 : memref<64xi32, #tpu.memory_space<vmem>>) semaphore(%arg35 : memref<!tpu.dma_semaphore, #tpu.memory_space<semaphore_mem>>)
    tpu.wait_dma2 semaphore(%arg27 : memref<!tpu.dma_semaphore, #tpu.memory_space<semaphore_mem>>) src(%arg6 : memref<128xf32, #tpu.memory_space<hbm>>) dst(%arg11 : memref<128xf32, #tpu.memory_space<vmem>>)
    tpu.wait_dma2 semaphore(%arg28 : memref<!tpu.dma_semaphore, #tpu.memory_space<semaphore_mem>>) src(%arg7 : memref<1xf32, #tpu.memory_space<hbm>>) dst(%arg12 : memref<1xf32, #tpu.memory_space<vmem>>)
    %iota3A = tpu.iota {dimensions = array<i32: 0>} : vector<16xi32>
    %add3A_38 = arith.constant 0 : i32
    %add3A_39 = vector.broadcast %add3A_38 : i32 to vector<16xi32>
    %add3A_40 = arith.addi %iota3A, %add3A_39 : vector<16xi32>
    %add3A_41 = arith.constant 16 : i32
    %add3A_42 = vector.broadcast %add3A_41 : i32 to vector<16xi32>
    %add3A_43 = arith.addi %iota3A, %add3A_42 : vector<16xi32>
    %add3A_44 = arith.constant 32 : i32
    %add3A_45 = vector.broadcast %add3A_44 : i32 to vector<16xi32>
    %add3A_46 = arith.addi %iota3A, %add3A_45 : vector<16xi32>
    %add3A_47 = arith.constant 48 : i32
    %add3A_48 = vector.broadcast %add3A_47 : i32 to vector<16xi32>
    %add3A_49 = arith.addi %iota3A, %add3A_48 : vector<16xi32>
    %broadcast_in_dim3A = arith.constant 0.000000e+00 : f32
    %broadcast_in_dim3A_50 = vector.broadcast %broadcast_in_dim3A : f32 to vector<16xf32>
    %broadcast_in_dim3A_51 = arith.constant 0.000000e+00 : f32
    %broadcast_in_dim3A_52 = vector.broadcast %broadcast_in_dim3A_51 : f32 to vector<16xf32>
    %broadcast_in_dim3A_53 = arith.constant 0.000000e+00 : f32
    %broadcast_in_dim3A_54 = vector.broadcast %broadcast_in_dim3A_53 : f32 to vector<16xf32>
    %broadcast_in_dim3A_55 = arith.constant 0.000000e+00 : f32
    %broadcast_in_dim3A_56 = vector.broadcast %broadcast_in_dim3A_55 : f32 to vector<16xf32>
    %broadcast_in_dim3A_57 = arith.constant 0 : i32
    %broadcast_in_dim3A_58 = vector.broadcast %broadcast_in_dim3A_57 : i32 to vector<16xi32>
    %gather3A = tpu.vector_load_idx %arg12[%broadcast_in_dim3A_58] : memref<1xf32, #tpu.memory_space<vmem>>[vector<16xi32>], vector<16xf32>,
    %scan3A = arith.constant 0 : i32
    %scan3A_59 = arith.constant 2 : i32
    %scan3A_60 = arith.addi %scan3A, %scan3A_59 : i32
    %scan3A_61 = arith.constant 1 : i32
    scf.for %scan3A_79 = %scan3A to %scan3A_60 step %scan3A_61  : i32 {
      %mul3A_80 = arith.constant 4 : i32
      %mul3A_81 = arith.muli %scan3A_79, %mul3A_80 : i32
      %add3A_82 = arith.constant 0 : i32
      %add3A_83 = arith.addi %add3A_82, %mul3A_81 : i32
      %add3A_84 = arith.constant 0 : i32
      %add3A_85 = arith.addi %add3A_83, %add3A_84 : i32
      %add3A_86 = arith.constant 3 : i32
      %add3A_87 = arith.addi %add3A_85, %add3A_86 : i32
      %lt3A = arith.constant 8 : i32
      %lt3A_88 = arith.cmpi slt, %add3A_87, %lt3A : i32
      %convert_element_type3A = arith.extui %lt3A_88 : i1 to i32
      %cond3A = arith.constant 0 : i32
      %cond3A_89 = arith.cmpi ne, %convert_element_type3A, %cond3A : i32
      scf.if %cond3A_89 {
        %add3A_419 = arith.constant 3 : i32
        %add3A_420 = arith.addi %add3A_85, %add3A_419 : i32
        %mul3A_421 = arith.constant 64 : i32
        %mul3A_422 = arith.muli %add3A_420, %mul3A_421 : i32
        %multiple_of3A_423 = tpu.assume_multiple %mul3A_422, 64 : i32
        %dma_start3A_424 = tpu.memref_slice %arg9[%multiple_of3A_423] : memref<512xi32, #tpu.memory_space<vmem>> -> memref<64xi32, #tpu.memory_space<vmem>>
        %dma_start3A_425 = arith.constant 0 : i32
        %dma_start3A_426 = arith.constant 0 : i32
        %dma_start3A_427 = tpu.memref_slice %arg4[%dma_start3A_425, %dma_start3A_426] : memref<100000x128xf32, #tpu.memory_space<hbm>> -> memref<100000x128xf32, #tpu.memory_space<hbm>>
        tpu.enqueue_indirect_dma source(%dma_start3A_427 : memref<100000x128xf32, #tpu.memory_space<hbm>>) target(%arg16 : memref<64x128xf32, #tpu.memory_space<vmem>>) offsets(%dma_start3A_424 : memref<64xi32, #tpu.memory_space<vmem>>) semaphore(%arg32 : memref<!tpu.dma_semaphore, #tpu.memory_space<semaphore_mem>>)
        %dma_start3A_428 = tpu.memref_slice %arg10[%multiple_of3A_423] : memref<512xi32, #tpu.memory_space<vmem>> -> memref<64xi32, #tpu.memory_space<vmem>>
        %dma_start3A_429 = arith.constant 0 : i32
        %dma_start3A_430 = arith.constant 0 : i32
        %dma_start3A_431 = tpu.memref_slice %arg5[%dma_start3A_429, %dma_start3A_430] : memref<100000x128xf32, #tpu.memory_space<hbm>> -> memref<100000x128xf32, #tpu.memory_space<hbm>>
        tpu.enqueue_indirect_dma source(%dma_start3A_431 : memref<100000x128xf32, #tpu.memory_space<hbm>>) target(%arg20 : memref<64x128xf32, #tpu.memory_space<vmem>>) offsets(%dma_start3A_428 : memref<64xi32, #tpu.memory_space<vmem>>) semaphore(%arg36 : memref<!tpu.dma_semaphore, #tpu.memory_space<semaphore_mem>>)
      } else {
      }
      %dma_wait3A_90 = arith.constant 0 : i32
      %dma_wait3A_91 = tpu.memref_slice %arg9[%dma_wait3A_90] : memref<512xi32, #tpu.memory_space<vmem>> -> memref<64xi32, #tpu.memory_space<vmem>>
      %dma_wait3A_92 = arith.constant 0 : i32
      %dma_wait3A_93 = arith.constant 0 : i32
      %dma_wait3A_94 = tpu.memref_slice %arg4[%dma_wait3A_92, %dma_wait3A_93] : memref<100000x128xf32, #tpu.memory_space<hbm>> -> memref<100000x128xf32, #tpu.memory_space<hbm>>
      tpu.wait_indirect_dma semaphore(%arg29 : memref<!tpu.dma_semaphore, #tpu.memory_space<semaphore_mem>>) src(%dma_wait3A_94 : memref<100000x128xf32, #tpu.memory_space<hbm>>) dst(%arg13 : memref<64x128xf32, #tpu.memory_space<vmem>>)
      %dma_wait3A_95 = arith.constant 0 : i32
      %dma_wait3A_96 = tpu.memref_slice %arg9[%dma_wait3A_95] : memref<512xi32, #tpu.memory_space<vmem>> -> memref<64xi32, #tpu.memory_space<vmem>>
      %dma_wait3A_97 = arith.constant 0 : i32
      %dma_wait3A_98 = arith.constant 0 : i32
      %dma_wait3A_99 = tpu.memref_slice %arg5[%dma_wait3A_97, %dma_wait3A_98] : memref<100000x128xf32, #tpu.memory_space<hbm>> -> memref<100000x128xf32, #tpu.memory_space<hbm>>
      tpu.wait_indirect_dma semaphore(%arg33 : memref<!tpu.dma_semaphore, #tpu.memory_space<semaphore_mem>>) src(%dma_wait3A_99 : memref<100000x128xf32, #tpu.memory_space<hbm>>) dst(%arg17 : memref<64x128xf32, #tpu.memory_space<vmem>>)
      %parallel_loop3A = arith.constant 0 : i32
      %parallel_loop3A_100 = arith.constant 128 : i32
      %parallel_loop3A_101 = arith.constant 1 : i32
      %parallel_loop3A_102:4 = scf.for %parallel_loop3A_419 = %parallel_loop3A to %parallel_loop3A_100 step %parallel_loop3A_101 iter_args(%parallel_loop3A_420 = %broadcast_in_dim3A_50, %parallel_loop3A_421 = %broadcast_in_dim3A_52, %parallel_loop3A_422 = %broadcast_in_dim3A_54, %parallel_loop3A_423 = %broadcast_in_dim3A_56) -> (vector<16xf32>, vector<16xf32>, vector<16xf32>, vector<16xf32>)  : i32 {
        %parallel_loop3A_424 = vector.broadcast %parallel_loop3A_419 : i32 to vector<16xi32>
        %parallel_loop3A_425 = arith.addi %iota3A, %parallel_loop3A_424 : vector<16xi32>
        %parallel_loop3A_426 = arith.constant 127 : i32
        %parallel_loop3A_427 = vector.broadcast %parallel_loop3A_426 : i32 to vector<16xi32>
        %parallel_loop3A_428 = arith.andi %parallel_loop3A_425, %parallel_loop3A_427 : vector<16xi32>
        %parallel_loop3A_429 = tpu.vector_load_idx %arg11[%parallel_loop3A_428] : memref<128xf32, #tpu.memory_space<vmem>>[vector<16xi32>], vector<16xf32>,
        %parallel_loop3A_430 = tpu.vector_load_idx %arg13[%add3A_40, %parallel_loop3A_428] : memref<64x128xf32, #tpu.memory_space<vmem>>[vector<16xi32>, vector<16xi32>], vector<16xf32>,
        %parallel_loop3A_431 = tpu.vector_load_idx %arg17[%add3A_40, %parallel_loop3A_428] : memref<64x128xf32, #tpu.memory_space<vmem>>[vector<16xi32>, vector<16xi32>], vector<16xf32>,
        %parallel_loop3A_432 = arith.mulf %parallel_loop3A_430, %parallel_loop3A_431 : vector<16xf32>
        %parallel_loop3A_433 = arith.mulf %parallel_loop3A_432, %parallel_loop3A_429 : vector<16xf32>
        %parallel_loop3A_434 = arith.addf %parallel_loop3A_420, %parallel_loop3A_433 : vector<16xf32>
        %parallel_loop3A_435 = tpu.vector_load_idx %arg13[%add3A_43, %parallel_loop3A_428] : memref<64x128xf32, #tpu.memory_space<vmem>>[vector<16xi32>, vector<16xi32>], vector<16xf32>,
        %parallel_loop3A_436 = tpu.vector_load_idx %arg17[%add3A_43, %parallel_loop3A_428] : memref<64x128xf32, #tpu.memory_space<vmem>>[vector<16xi32>, vector<16xi32>], vector<16xf32>,
        %parallel_loop3A_437 = arith.mulf %parallel_loop3A_435, %parallel_loop3A_436 : vector<16xf32>
        %parallel_loop3A_438 = arith.mulf %parallel_loop3A_437, %parallel_loop3A_429 : vector<16xf32>
        %parallel_loop3A_439 = arith.addf %parallel_loop3A_421, %parallel_loop3A_438 : vector<16xf32>
        %parallel_loop3A_440 = tpu.vector_load_idx %arg13[%add3A_46, %parallel_loop3A_428] : memref<64x128xf32, #tpu.memory_space<vmem>>[vector<16xi32>, vector<16xi32>], vector<16xf32>,
        %parallel_loop3A_441 = tpu.vector_load_idx %arg17[%add3A_46, %parallel_loop3A_428] : memref<64x128xf32, #tpu.memory_space<vmem>>[vector<16xi32>, vector<16xi32>], vector<16xf32>,
        %parallel_loop3A_442 = arith.mulf %parallel_loop3A_440, %parallel_loop3A_441 : vector<16xf32>
        %parallel_loop3A_443 = arith.mulf %parallel_loop3A_442, %parallel_loop3A_429 : vector<16xf32>
        %parallel_loop3A_444 = arith.addf %parallel_loop3A_422, %parallel_loop3A_443 : vector<16xf32>
        %parallel_loop3A_445 = tpu.vector_load_idx %arg13[%add3A_49, %parallel_loop3A_428] : memref<64x128xf32, #tpu.memory_space<vmem>>[vector<16xi32>, vector<16xi32>], vector<16xf32>,
        %parallel_loop3A_446 = tpu.vector_load_idx %arg17[%add3A_49, %parallel_loop3A_428] : memref<64x128xf32, #tpu.memory_space<vmem>>[vector<16xi32>, vector<16xi32>], vector<16xf32>,
        %parallel_loop3A_447 = arith.mulf %parallel_loop3A_445, %parallel_loop3A_446 : vector<16xf32>
        %parallel_loop3A_448 = arith.mulf %parallel_loop3A_447, %parallel_loop3A_429 : vector<16xf32>
        %parallel_loop3A_449 = arith.addf %parallel_loop3A_423, %parallel_loop3A_448 : vector<16xf32>
        scf.yield %parallel_loop3A_434, %parallel_loop3A_439, %parallel_loop3A_444, %parallel_loop3A_449 : vector<16xf32>, vector<16xf32>, vector<16xf32>, vector<16xf32>
      } {sc.loop_unroll_factor = 1 : i64, sc.parallel_access}
      %ge3A = arith.constant 4 : i32
      %ge3A_103 = arith.cmpi sge, %add3A_85, %ge3A : i32
      %convert_element_type3A_104 = arith.extui %ge3A_103 : i1 to i32
      %cond3A_105 = arith.constant 0 : i32
      %cond3A_106 = arith.cmpi ne, %convert_element_type3A_104, %cond3A_105 : i32
      scf.if %cond3A_106 {
        %dma_wait3A_419 = arith.constant 0 : i32
        %dma_wait3A_420 = tpu.memref_slice %arg8[%dma_wait3A_419] : memref<16384xf32, #tpu.memory_space<hbm>> -> memref<64xf32, #tpu.memory_space<hbm>>
        %dma_wait3A_421 = arith.constant 0 : i32
        %dma_wait3A_422 = tpu.memref_slice %arg8[%dma_wait3A_421] : memref<16384xf32, #tpu.memory_space<hbm>> -> memref<64xf32, #tpu.memory_space<hbm>>
        tpu.wait_dma2 semaphore(%arg37 : memref<!tpu.dma_semaphore, #tpu.memory_space<semaphore_mem>>) src(%arg21 : memref<64xf32, #tpu.memory_space<vmem>>) dst(%dma_wait3A_422 : memref<64xf32, #tpu.memory_space<hbm>>)
      } else {
      }
      %add3A_107 = arith.addf %parallel_loop3A_102#0, %gather3A : vector<16xf32>
      %neg3A = arith.constant 0.000000e+00 : f32
      %neg3A_108 = vector.broadcast %neg3A : f32 to vector<16xf32>
      %neg3A_109 = arith.subf %neg3A_108, %add3A_107 : vector<16xf32>
      %exp3A = math.exp %neg3A_109 : vector<16xf32>
      %add3A_110 = arith.constant 1.000000e+00 : f32
      %add3A_111 = vector.broadcast %add3A_110 : f32 to vector<16xf32>
      %add3A_112 = arith.addf %add3A_111, %exp3A : vector<16xf32>
      %div3A = arith.constant 1.000000e+00 : f32
      %div3A_113 = vector.broadcast %div3A : f32 to vector<16xf32>
      %div3A_114 = arith.divf %div3A_113, %add3A_112 : vector<16xf32>
      %swap3A = arith.constant 0 : index
      %swap3A_115 = tpu.vector_load %arg21[%swap3A] {strides = array<i32>} : memref<64xf32, #tpu.memory_space<vmem>>, vector<16xf32>,
      tpu.vector_store %arg21[%swap3A], %div3A_114 {strides = array<i32>} : memref<64xf32, #tpu.memory_space<vmem>>, vector<16xf32>,
      %add3A_116 = arith.addf %parallel_loop3A_102#1, %gather3A : vector<16xf32>
      %neg3A_117 = arith.constant 0.000000e+00 : f32
      %neg3A_118 = vector.broadcast %neg3A_117 : f32 to vector<16xf32>
      %neg3A_119 = arith.subf %neg3A_118, %add3A_116 : vector<16xf32>
      %exp3A_120 = math.exp %neg3A_119 : vector<16xf32>
      %add3A_121 = arith.constant 1.000000e+00 : f32
      %add3A_122 = vector.broadcast %add3A_121 : f32 to vector<16xf32>
      %add3A_123 = arith.addf %add3A_122, %exp3A_120 : vector<16xf32>
      %div3A_124 = arith.constant 1.000000e+00 : f32
      %div3A_125 = vector.broadcast %div3A_124 : f32 to vector<16xf32>
      %div3A_126 = arith.divf %div3A_125, %add3A_123 : vector<16xf32>
      %swap3A_127 = arith.constant 16 : index
      %swap3A_128 = tpu.vector_load %arg21[%swap3A_127] {strides = array<i32>} : memref<64xf32, #tpu.memory_space<vmem>>, vector<16xf32>,
      tpu.vector_store %arg21[%swap3A_127], %div3A_126 {strides = array<i32>} : memref<64xf32, #tpu.memory_space<vmem>>, vector<16xf32>,
      %add3A_129 = arith.addf %parallel_loop3A_102#2, %gather3A : vector<16xf32>
      %neg3A_130 = arith.constant 0.000000e+00 : f32
      %neg3A_131 = vector.broadcast %neg3A_130 : f32 to vector<16xf32>
      %neg3A_132 = arith.subf %neg3A_131, %add3A_129 : vector<16xf32>
      %exp3A_133 = math.exp %neg3A_132 : vector<16xf32>
      %add3A_134 = arith.constant 1.000000e+00 : f32
      %add3A_135 = vector.broadcast %add3A_134 : f32 to vector<16xf32>
      %add3A_136 = arith.addf %add3A_135, %exp3A_133 : vector<16xf32>
      %div3A_137 = arith.constant 1.000000e+00 : f32
      %div3A_138 = vector.broadcast %div3A_137 : f32 to vector<16xf32>
      %div3A_139 = arith.divf %div3A_138, %add3A_136 : vector<16xf32>
      %swap3A_140 = arith.constant 32 : index
      %swap3A_141 = tpu.vector_load %arg21[%swap3A_140] {strides = array<i32>} : memref<64xf32, #tpu.memory_space<vmem>>, vector<16xf32>,
      tpu.vector_store %arg21[%swap3A_140], %div3A_139 {strides = array<i32>} : memref<64xf32, #tpu.memory_space<vmem>>, vector<16xf32>,
      %add3A_142 = arith.addf %parallel_loop3A_102#3, %gather3A : vector<16xf32>
      %neg3A_143 = arith.constant 0.000000e+00 : f32
      %neg3A_144 = vector.broadcast %neg3A_143 : f32 to vector<16xf32>
      %neg3A_145 = arith.subf %neg3A_144, %add3A_142 : vector<16xf32>
      %exp3A_146 = math.exp %neg3A_145 : vector<16xf32>
      %add3A_147 = arith.constant 1.000000e+00 : f32
      %add3A_148 = vector.broadcast %add3A_147 : f32 to vector<16xf32>
      %add3A_149 = arith.addf %add3A_148, %exp3A_146 : vector<16xf32>
      %div3A_150 = arith.constant 1.000000e+00 : f32
      %div3A_151 = vector.broadcast %div3A_150 : f32 to vector<16xf32>
      %div3A_152 = arith.divf %div3A_151, %add3A_149 : vector<16xf32>
      %swap3A_153 = arith.constant 48 : index
      %swap3A_154 = tpu.vector_load %arg21[%swap3A_153] {strides = array<i32>} : memref<64xf32, #tpu.memory_space<vmem>>, vector<16xf32>,
      tpu.vector_store %arg21[%swap3A_153], %div3A_152 {strides = array<i32>} : memref<64xf32, #tpu.memory_space<vmem>>, vector<16xf32>,
      %mul3A_155 = arith.constant 64 : i32
      %mul3A_156 = arith.muli %add3A_85, %mul3A_155 : i32
      %add3A_157 = arith.addi %mul3A_2, %mul3A_156 : i32
      %multiple_of3A_158 = tpu.assume_multiple %add3A_157, 64 : i32
      %dma_start3A_159 = tpu.memref_slice %arg8[%multiple_of3A_158] : memref<16384xf32, #tpu.memory_space<hbm>> -> memref<64xf32, #tpu.memory_space<hbm>>
      %dma_start3A_160 = tpu.memref_slice %arg8[%multiple_of3A_158] : memref<16384xf32, #tpu.memory_space<hbm>> -> memref<64xf32, #tpu.memory_space<hbm>>
      tpu.enqueue_dma source(%arg21 : memref<64xf32, #tpu.memory_space<vmem>>) target(%dma_start3A_160 : memref<64xf32, #tpu.memory_space<hbm>>) target_semaphore(%arg37 : memref<!tpu.dma_semaphore, #tpu.memory_space<semaphore_mem>>)
      %add3A_161 = arith.constant 1 : i32
      %add3A_162 = arith.addi %add3A_83, %add3A_161 : i32
      %add3A_163 = arith.constant 3 : i32
      %add3A_164 = arith.addi %add3A_162, %add3A_163 : i32
      %lt3A_165 = arith.constant 8 : i32
      %lt3A_166 = arith.cmpi slt, %add3A_164, %lt3A_165 : i32
      %convert_element_type3A_167 = arith.extui %lt3A_166 : i1 to i32
      %cond3A_168 = arith.constant 0 : i32
      %cond3A_169 = arith.cmpi ne, %convert_element_type3A_167, %cond3A_168 : i32
      scf.if %cond3A_169 {
        %add3A_419 = arith.constant 3 : i32
        %add3A_420 = arith.addi %add3A_162, %add3A_419 : i32
        %mul3A_421 = arith.constant 64 : i32
        %mul3A_422 = arith.muli %add3A_420, %mul3A_421 : i32
        %multiple_of3A_423 = tpu.assume_multiple %mul3A_422, 64 : i32
        %dma_start3A_424 = tpu.memref_slice %arg9[%multiple_of3A_423] : memref<512xi32, #tpu.memory_space<vmem>> -> memref<64xi32, #tpu.memory_space<vmem>>
        %dma_start3A_425 = arith.constant 0 : i32
        %dma_start3A_426 = arith.constant 0 : i32
        %dma_start3A_427 = tpu.memref_slice %arg4[%dma_start3A_425, %dma_start3A_426] : memref<100000x128xf32, #tpu.memory_space<hbm>> -> memref<100000x128xf32, #tpu.memory_space<hbm>>
        tpu.enqueue_indirect_dma source(%dma_start3A_427 : memref<100000x128xf32, #tpu.memory_space<hbm>>) target(%arg13 : memref<64x128xf32, #tpu.memory_space<vmem>>) offsets(%dma_start3A_424 : memref<64xi32, #tpu.memory_space<vmem>>) semaphore(%arg29 : memref<!tpu.dma_semaphore, #tpu.memory_space<semaphore_mem>>)
        %dma_start3A_428 = tpu.memref_slice %arg10[%multiple_of3A_423] : memref<512xi32, #tpu.memory_space<vmem>> -> memref<64xi32, #tpu.memory_space<vmem>>
        %dma_start3A_429 = arith.constant 0 : i32
        %dma_start3A_430 = arith.constant 0 : i32
        %dma_start3A_431 = tpu.memref_slice %arg5[%dma_start3A_429, %dma_start3A_430] : memref<100000x128xf32, #tpu.memory_space<hbm>> -> memref<100000x128xf32, #tpu.memory_space<hbm>>
        tpu.enqueue_indirect_dma source(%dma_start3A_431 : memref<100000x128xf32, #tpu.memory_space<hbm>>) target(%arg17 : memref<64x128xf32, #tpu.memory_space<vmem>>) offsets(%dma_start3A_428 : memref<64xi32, #tpu.memory_space<vmem>>) semaphore(%arg33 : memref<!tpu.dma_semaphore, #tpu.memory_space<semaphore_mem>>)
      } else {
      }
      %dma_wait3A_170 = arith.constant 0 : i32
      %dma_wait3A_171 = tpu.memref_slice %arg9[%dma_wait3A_170] : memref<512xi32, #tpu.memory_space<vmem>> -> memref<64xi32, #tpu.memory_space<vmem>>
      %dma_wait3A_172 = arith.constant 0 : i32
      %dma_wait3A_173 = arith.constant 0 : i32
      %dma_wait3A_174 = tpu.memref_slice %arg4[%dma_wait3A_172, %dma_wait3A_173] : memref<100000x128xf32, #tpu.memory_space<hbm>> -> memref<100000x128xf32, #tpu.memory_space<hbm>>
      tpu.wait_indirect_dma semaphore(%arg30 : memref<!tpu.dma_semaphore, #tpu.memory_space<semaphore_mem>>) src(%dma_wait3A_174 : memref<100000x128xf32, #tpu.memory_space<hbm>>) dst(%arg14 : memref<64x128xf32, #tpu.memory_space<vmem>>)
      %dma_wait3A_175 = arith.constant 0 : i32
      %dma_wait3A_176 = tpu.memref_slice %arg9[%dma_wait3A_175] : memref<512xi32, #tpu.memory_space<vmem>> -> memref<64xi32, #tpu.memory_space<vmem>>
      %dma_wait3A_177 = arith.constant 0 : i32
      %dma_wait3A_178 = arith.constant 0 : i32
      %dma_wait3A_179 = tpu.memref_slice %arg5[%dma_wait3A_177, %dma_wait3A_178] : memref<100000x128xf32, #tpu.memory_space<hbm>> -> memref<100000x128xf32, #tpu.memory_space<hbm>>
      tpu.wait_indirect_dma semaphore(%arg34 : memref<!tpu.dma_semaphore, #tpu.memory_space<semaphore_mem>>) src(%dma_wait3A_179 : memref<100000x128xf32, #tpu.memory_space<hbm>>) dst(%arg18 : memref<64x128xf32, #tpu.memory_space<vmem>>)
      %parallel_loop3A_180 = arith.constant 0 : i32
      %parallel_loop3A_181 = arith.constant 128 : i32
      %parallel_loop3A_182 = arith.constant 1 : i32
      %parallel_loop3A_183:4 = scf.for %parallel_loop3A_419 = %parallel_loop3A_180 to %parallel_loop3A_181 step %parallel_loop3A_182 iter_args(%parallel_loop3A_420 = %broadcast_in_dim3A_50, %parallel_loop3A_421 = %broadcast_in_dim3A_52, %parallel_loop3A_422 = %broadcast_in_dim3A_54, %parallel_loop3A_423 = %broadcast_in_dim3A_56) -> (vector<16xf32>, vector<16xf32>, vector<16xf32>, vector<16xf32>)  : i32 {
        %parallel_loop3A_424 = vector.broadcast %parallel_loop3A_419 : i32 to vector<16xi32>
        %parallel_loop3A_425 = arith.addi %iota3A, %parallel_loop3A_424 : vector<16xi32>
        %parallel_loop3A_426 = arith.constant 127 : i32
        %parallel_loop3A_427 = vector.broadcast %parallel_loop3A_426 : i32 to vector<16xi32>
        %parallel_loop3A_428 = arith.andi %parallel_loop3A_425, %parallel_loop3A_427 : vector<16xi32>
        %parallel_loop3A_429 = tpu.vector_load_idx %arg11[%parallel_loop3A_428] : memref<128xf32, #tpu.memory_space<vmem>>[vector<16xi32>], vector<16xf32>,
        %parallel_loop3A_430 = tpu.vector_load_idx %arg14[%add3A_40, %parallel_loop3A_428] : memref<64x128xf32, #tpu.memory_space<vmem>>[vector<16xi32>, vector<16xi32>], vector<16xf32>,
        %parallel_loop3A_431 = tpu.vector_load_idx %arg18[%add3A_40, %parallel_loop3A_428] : memref<64x128xf32, #tpu.memory_space<vmem>>[vector<16xi32>, vector<16xi32>], vector<16xf32>,
        %parallel_loop3A_432 = arith.mulf %parallel_loop3A_430, %parallel_loop3A_431 : vector<16xf32>
        %parallel_loop3A_433 = arith.mulf %parallel_loop3A_432, %parallel_loop3A_429 : vector<16xf32>
        %parallel_loop3A_434 = arith.addf %parallel_loop3A_420, %parallel_loop3A_433 : vector<16xf32>
        %parallel_loop3A_435 = tpu.vector_load_idx %arg14[%add3A_43, %parallel_loop3A_428] : memref<64x128xf32, #tpu.memory_space<vmem>>[vector<16xi32>, vector<16xi32>], vector<16xf32>,
        %parallel_loop3A_436 = tpu.vector_load_idx %arg18[%add3A_43, %parallel_loop3A_428] : memref<64x128xf32, #tpu.memory_space<vmem>>[vector<16xi32>, vector<16xi32>], vector<16xf32>,
        %parallel_loop3A_437 = arith.mulf %parallel_loop3A_435, %parallel_loop3A_436 : vector<16xf32>
        %parallel_loop3A_438 = arith.mulf %parallel_loop3A_437, %parallel_loop3A_429 : vector<16xf32>
        %parallel_loop3A_439 = arith.addf %parallel_loop3A_421, %parallel_loop3A_438 : vector<16xf32>
        %parallel_loop3A_440 = tpu.vector_load_idx %arg14[%add3A_46, %parallel_loop3A_428] : memref<64x128xf32, #tpu.memory_space<vmem>>[vector<16xi32>, vector<16xi32>], vector<16xf32>,
        %parallel_loop3A_441 = tpu.vector_load_idx %arg18[%add3A_46, %parallel_loop3A_428] : memref<64x128xf32, #tpu.memory_space<vmem>>[vector<16xi32>, vector<16xi32>], vector<16xf32>,
        %parallel_loop3A_442 = arith.mulf %parallel_loop3A_440, %parallel_loop3A_441 : vector<16xf32>
        %parallel_loop3A_443 = arith.mulf %parallel_loop3A_442, %parallel_loop3A_429 : vector<16xf32>
        %parallel_loop3A_444 = arith.addf %parallel_loop3A_422, %parallel_loop3A_443 : vector<16xf32>
        %parallel_loop3A_445 = tpu.vector_load_idx %arg14[%add3A_49, %parallel_loop3A_428] : memref<64x128xf32, #tpu.memory_space<vmem>>[vector<16xi32>, vector<16xi32>], vector<16xf32>,
        %parallel_loop3A_446 = tpu.vector_load_idx %arg18[%add3A_49, %parallel_loop3A_428] : memref<64x128xf32, #tpu.memory_space<vmem>>[vector<16xi32>, vector<16xi32>], vector<16xf32>,
        %parallel_loop3A_447 = arith.mulf %parallel_loop3A_445, %parallel_loop3A_446 : vector<16xf32>
        %parallel_loop3A_448 = arith.mulf %parallel_loop3A_447, %parallel_loop3A_429 : vector<16xf32>
        %parallel_loop3A_449 = arith.addf %parallel_loop3A_423, %parallel_loop3A_448 : vector<16xf32>
        scf.yield %parallel_loop3A_434, %parallel_loop3A_439, %parallel_loop3A_444, %parallel_loop3A_449 : vector<16xf32>, vector<16xf32>, vector<16xf32>, vector<16xf32>
      } {sc.loop_unroll_factor = 1 : i64, sc.parallel_access}
      %ge3A_184 = arith.constant 4 : i32
      %ge3A_185 = arith.cmpi sge, %add3A_162, %ge3A_184 : i32
      %convert_element_type3A_186 = arith.extui %ge3A_185 : i1 to i32
      %cond3A_187 = arith.constant 0 : i32
      %cond3A_188 = arith.cmpi ne, %convert_element_type3A_186, %cond3A_187 : i32
      scf.if %cond3A_188 {
        %dma_wait3A_419 = arith.constant 0 : i32
        %dma_wait3A_420 = tpu.memref_slice %arg8[%dma_wait3A_419] : memref<16384xf32, #tpu.memory_space<hbm>> -> memref<64xf32, #tpu.memory_space<hbm>>
        %dma_wait3A_421 = arith.constant 0 : i32
        %dma_wait3A_422 = tpu.memref_slice %arg8[%dma_wait3A_421] : memref<16384xf32, #tpu.memory_space<hbm>> -> memref<64xf32, #tpu.memory_space<hbm>>
        tpu.wait_dma2 semaphore(%arg38 : memref<!tpu.dma_semaphore, #tpu.memory_space<semaphore_mem>>) src(%arg22 : memref<64xf32, #tpu.memory_space<vmem>>) dst(%dma_wait3A_422 : memref<64xf32, #tpu.memory_space<hbm>>)
      } else {
      }
      %add3A_189 = arith.addf %parallel_loop3A_183#0, %gather3A : vector<16xf32>
      %neg3A_190 = arith.constant 0.000000e+00 : f32
      %neg3A_191 = vector.broadcast %neg3A_190 : f32 to vector<16xf32>
      %neg3A_192 = arith.subf %neg3A_191, %add3A_189 : vector<16xf32>
      %exp3A_193 = math.exp %neg3A_192 : vector<16xf32>
      %add3A_194 = arith.constant 1.000000e+00 : f32
      %add3A_195 = vector.broadcast %add3A_194 : f32 to vector<16xf32>
      %add3A_196 = arith.addf %add3A_195, %exp3A_193 : vector<16xf32>
      %div3A_197 = arith.constant 1.000000e+00 : f32
      %div3A_198 = vector.broadcast %div3A_197 : f32 to vector<16xf32>
      %div3A_199 = arith.divf %div3A_198, %add3A_196 : vector<16xf32>
      %swap3A_200 = arith.constant 0 : index
      %swap3A_201 = tpu.vector_load %arg22[%swap3A_200] {strides = array<i32>} : memref<64xf32, #tpu.memory_space<vmem>>, vector<16xf32>,
      tpu.vector_store %arg22[%swap3A_200], %div3A_199 {strides = array<i32>} : memref<64xf32, #tpu.memory_space<vmem>>, vector<16xf32>,
      %add3A_202 = arith.addf %parallel_loop3A_183#1, %gather3A : vector<16xf32>
      %neg3A_203 = arith.constant 0.000000e+00 : f32
      %neg3A_204 = vector.broadcast %neg3A_203 : f32 to vector<16xf32>
      %neg3A_205 = arith.subf %neg3A_204, %add3A_202 : vector<16xf32>
      %exp3A_206 = math.exp %neg3A_205 : vector<16xf32>
      %add3A_207 = arith.constant 1.000000e+00 : f32
      %add3A_208 = vector.broadcast %add3A_207 : f32 to vector<16xf32>
      %add3A_209 = arith.addf %add3A_208, %exp3A_206 : vector<16xf32>
      %div3A_210 = arith.constant 1.000000e+00 : f32
      %div3A_211 = vector.broadcast %div3A_210 : f32 to vector<16xf32>
      %div3A_212 = arith.divf %div3A_211, %add3A_209 : vector<16xf32>
      %swap3A_213 = arith.constant 16 : index
      %swap3A_214 = tpu.vector_load %arg22[%swap3A_213] {strides = array<i32>} : memref<64xf32, #tpu.memory_space<vmem>>, vector<16xf32>,
      tpu.vector_store %arg22[%swap3A_213], %div3A_212 {strides = array<i32>} : memref<64xf32, #tpu.memory_space<vmem>>, vector<16xf32>,
      %add3A_215 = arith.addf %parallel_loop3A_183#2, %gather3A : vector<16xf32>
      %neg3A_216 = arith.constant 0.000000e+00 : f32
      %neg3A_217 = vector.broadcast %neg3A_216 : f32 to vector<16xf32>
      %neg3A_218 = arith.subf %neg3A_217, %add3A_215 : vector<16xf32>
      %exp3A_219 = math.exp %neg3A_218 : vector<16xf32>
      %add3A_220 = arith.constant 1.000000e+00 : f32
      %add3A_221 = vector.broadcast %add3A_220 : f32 to vector<16xf32>
      %add3A_222 = arith.addf %add3A_221, %exp3A_219 : vector<16xf32>
      %div3A_223 = arith.constant 1.000000e+00 : f32
      %div3A_224 = vector.broadcast %div3A_223 : f32 to vector<16xf32>
      %div3A_225 = arith.divf %div3A_224, %add3A_222 : vector<16xf32>
      %swap3A_226 = arith.constant 32 : index
      %swap3A_227 = tpu.vector_load %arg22[%swap3A_226] {strides = array<i32>} : memref<64xf32, #tpu.memory_space<vmem>>, vector<16xf32>,
      tpu.vector_store %arg22[%swap3A_226], %div3A_225 {strides = array<i32>} : memref<64xf32, #tpu.memory_space<vmem>>, vector<16xf32>,
      %add3A_228 = arith.addf %parallel_loop3A_183#3, %gather3A : vector<16xf32>
      %neg3A_229 = arith.constant 0.000000e+00 : f32
      %neg3A_230 = vector.broadcast %neg3A_229 : f32 to vector<16xf32>
      %neg3A_231 = arith.subf %neg3A_230, %add3A_228 : vector<16xf32>
      %exp3A_232 = math.exp %neg3A_231 : vector<16xf32>
      %add3A_233 = arith.constant 1.000000e+00 : f32
      %add3A_234 = vector.broadcast %add3A_233 : f32 to vector<16xf32>
      %add3A_235 = arith.addf %add3A_234, %exp3A_232 : vector<16xf32>
      %div3A_236 = arith.constant 1.000000e+00 : f32
      %div3A_237 = vector.broadcast %div3A_236 : f32 to vector<16xf32>
      %div3A_238 = arith.divf %div3A_237, %add3A_235 : vector<16xf32>
      %swap3A_239 = arith.constant 48 : index
      %swap3A_240 = tpu.vector_load %arg22[%swap3A_239] {strides = array<i32>} : memref<64xf32, #tpu.memory_space<vmem>>, vector<16xf32>,
      tpu.vector_store %arg22[%swap3A_239], %div3A_238 {strides = array<i32>} : memref<64xf32, #tpu.memory_space<vmem>>, vector<16xf32>,
      %mul3A_241 = arith.constant 64 : i32
      %mul3A_242 = arith.muli %add3A_162, %mul3A_241 : i32
      %add3A_243 = arith.addi %mul3A_2, %mul3A_242 : i32
      %multiple_of3A_244 = tpu.assume_multiple %add3A_243, 64 : i32
      %dma_start3A_245 = tpu.memref_slice %arg8[%multiple_of3A_244] : memref<16384xf32, #tpu.memory_space<hbm>> -> memref<64xf32, #tpu.memory_space<hbm>>
      %dma_start3A_246 = tpu.memref_slice %arg8[%multiple_of3A_244] : memref<16384xf32, #tpu.memory_space<hbm>> -> memref<64xf32, #tpu.memory_space<hbm>>
      tpu.enqueue_dma source(%arg22 : memref<64xf32, #tpu.memory_space<vmem>>) target(%dma_start3A_246 : memref<64xf32, #tpu.memory_space<hbm>>) target_semaphore(%arg38 : memref<!tpu.dma_semaphore, #tpu.memory_space<semaphore_mem>>)
      %add3A_247 = arith.constant 2 : i32
      %add3A_248 = arith.addi %add3A_83, %add3A_247 : i32
      %add3A_249 = arith.constant 3 : i32
      %add3A_250 = arith.addi %add3A_248, %add3A_249 : i32
      %lt3A_251 = arith.constant 8 : i32
      %lt3A_252 = arith.cmpi slt, %add3A_250, %lt3A_251 : i32
      %convert_element_type3A_253 = arith.extui %lt3A_252 : i1 to i32
      %cond3A_254 = arith.constant 0 : i32
      %cond3A_255 = arith.cmpi ne, %convert_element_type3A_253, %cond3A_254 : i32
      scf.if %cond3A_255 {
        %add3A_419 = arith.constant 3 : i32
        %add3A_420 = arith.addi %add3A_248, %add3A_419 : i32
        %mul3A_421 = arith.constant 64 : i32
        %mul3A_422 = arith.muli %add3A_420, %mul3A_421 : i32
        %multiple_of3A_423 = tpu.assume_multiple %mul3A_422, 64 : i32
        %dma_start3A_424 = tpu.memref_slice %arg9[%multiple_of3A_423] : memref<512xi32, #tpu.memory_space<vmem>> -> memref<64xi32, #tpu.memory_space<vmem>>
        %dma_start3A_425 = arith.constant 0 : i32
        %dma_start3A_426 = arith.constant 0 : i32
        %dma_start3A_427 = tpu.memref_slice %arg4[%dma_start3A_425, %dma_start3A_426] : memref<100000x128xf32, #tpu.memory_space<hbm>> -> memref<100000x128xf32, #tpu.memory_space<hbm>>
        tpu.enqueue_indirect_dma source(%dma_start3A_427 : memref<100000x128xf32, #tpu.memory_space<hbm>>) target(%arg14 : memref<64x128xf32, #tpu.memory_space<vmem>>) offsets(%dma_start3A_424 : memref<64xi32, #tpu.memory_space<vmem>>) semaphore(%arg30 : memref<!tpu.dma_semaphore, #tpu.memory_space<semaphore_mem>>)
        %dma_start3A_428 = tpu.memref_slice %arg10[%multiple_of3A_423] : memref<512xi32, #tpu.memory_space<vmem>> -> memref<64xi32, #tpu.memory_space<vmem>>
        %dma_start3A_429 = arith.constant 0 : i32
        %dma_start3A_430 = arith.constant 0 : i32
        %dma_start3A_431 = tpu.memref_slice %arg5[%dma_start3A_429, %dma_start3A_430] : memref<100000x128xf32, #tpu.memory_space<hbm>> -> memref<100000x128xf32, #tpu.memory_space<hbm>>
        tpu.enqueue_indirect_dma source(%dma_start3A_431 : memref<100000x128xf32, #tpu.memory_space<hbm>>) target(%arg18 : memref<64x128xf32, #tpu.memory_space<vmem>>) offsets(%dma_start3A_428 : memref<64xi32, #tpu.memory_space<vmem>>) semaphore(%arg34 : memref<!tpu.dma_semaphore, #tpu.memory_space<semaphore_mem>>)
      } else {
      }
      %dma_wait3A_256 = arith.constant 0 : i32
      %dma_wait3A_257 = tpu.memref_slice %arg9[%dma_wait3A_256] : memref<512xi32, #tpu.memory_space<vmem>> -> memref<64xi32, #tpu.memory_space<vmem>>
      %dma_wait3A_258 = arith.constant 0 : i32
      %dma_wait3A_259 = arith.constant 0 : i32
      %dma_wait3A_260 = tpu.memref_slice %arg4[%dma_wait3A_258, %dma_wait3A_259] : memref<100000x128xf32, #tpu.memory_space<hbm>> -> memref<100000x128xf32, #tpu.memory_space<hbm>>
      tpu.wait_indirect_dma semaphore(%arg31 : memref<!tpu.dma_semaphore, #tpu.memory_space<semaphore_mem>>) src(%dma_wait3A_260 : memref<100000x128xf32, #tpu.memory_space<hbm>>) dst(%arg15 : memref<64x128xf32, #tpu.memory_space<vmem>>)
      %dma_wait3A_261 = arith.constant 0 : i32
      %dma_wait3A_262 = tpu.memref_slice %arg9[%dma_wait3A_261] : memref<512xi32, #tpu.memory_space<vmem>> -> memref<64xi32, #tpu.memory_space<vmem>>
      %dma_wait3A_263 = arith.constant 0 : i32
      %dma_wait3A_264 = arith.constant 0 : i32
      %dma_wait3A_265 = tpu.memref_slice %arg5[%dma_wait3A_263, %dma_wait3A_264] : memref<100000x128xf32, #tpu.memory_space<hbm>> -> memref<100000x128xf32, #tpu.memory_space<hbm>>
      tpu.wait_indirect_dma semaphore(%arg35 : memref<!tpu.dma_semaphore, #tpu.memory_space<semaphore_mem>>) src(%dma_wait3A_265 : memref<100000x128xf32, #tpu.memory_space<hbm>>) dst(%arg19 : memref<64x128xf32, #tpu.memory_space<vmem>>)
      %parallel_loop3A_266 = arith.constant 0 : i32
      %parallel_loop3A_267 = arith.constant 128 : i32
      %parallel_loop3A_268 = arith.constant 1 : i32
      %parallel_loop3A_269:4 = scf.for %parallel_loop3A_419 = %parallel_loop3A_266 to %parallel_loop3A_267 step %parallel_loop3A_268 iter_args(%parallel_loop3A_420 = %broadcast_in_dim3A_50, %parallel_loop3A_421 = %broadcast_in_dim3A_52, %parallel_loop3A_422 = %broadcast_in_dim3A_54, %parallel_loop3A_423 = %broadcast_in_dim3A_56) -> (vector<16xf32>, vector<16xf32>, vector<16xf32>, vector<16xf32>)  : i32 {
        %parallel_loop3A_424 = vector.broadcast %parallel_loop3A_419 : i32 to vector<16xi32>
        %parallel_loop3A_425 = arith.addi %iota3A, %parallel_loop3A_424 : vector<16xi32>
        %parallel_loop3A_426 = arith.constant 127 : i32
        %parallel_loop3A_427 = vector.broadcast %parallel_loop3A_426 : i32 to vector<16xi32>
        %parallel_loop3A_428 = arith.andi %parallel_loop3A_425, %parallel_loop3A_427 : vector<16xi32>
        %parallel_loop3A_429 = tpu.vector_load_idx %arg11[%parallel_loop3A_428] : memref<128xf32, #tpu.memory_space<vmem>>[vector<16xi32>], vector<16xf32>,
        %parallel_loop3A_430 = tpu.vector_load_idx %arg15[%add3A_40, %parallel_loop3A_428] : memref<64x128xf32, #tpu.memory_space<vmem>>[vector<16xi32>, vector<16xi32>], vector<16xf32>,
        %parallel_loop3A_431 = tpu.vector_load_idx %arg19[%add3A_40, %parallel_loop3A_428] : memref<64x128xf32, #tpu.memory_space<vmem>>[vector<16xi32>, vector<16xi32>], vector<16xf32>,
        %parallel_loop3A_432 = arith.mulf %parallel_loop3A_430, %parallel_loop3A_431 : vector<16xf32>
        %parallel_loop3A_433 = arith.mulf %parallel_loop3A_432, %parallel_loop3A_429 : vector<16xf32>
        %parallel_loop3A_434 = arith.addf %parallel_loop3A_420, %parallel_loop3A_433 : vector<16xf32>
        %parallel_loop3A_435 = tpu.vector_load_idx %arg15[%add3A_43, %parallel_loop3A_428] : memref<64x128xf32, #tpu.memory_space<vmem>>[vector<16xi32>, vector<16xi32>], vector<16xf32>,
        %parallel_loop3A_436 = tpu.vector_load_idx %arg19[%add3A_43, %parallel_loop3A_428] : memref<64x128xf32, #tpu.memory_space<vmem>>[vector<16xi32>, vector<16xi32>], vector<16xf32>,
        %parallel_loop3A_437 = arith.mulf %parallel_loop3A_435, %parallel_loop3A_436 : vector<16xf32>
        %parallel_loop3A_438 = arith.mulf %parallel_loop3A_437, %parallel_loop3A_429 : vector<16xf32>
        %parallel_loop3A_439 = arith.addf %parallel_loop3A_421, %parallel_loop3A_438 : vector<16xf32>
        %parallel_loop3A_440 = tpu.vector_load_idx %arg15[%add3A_46, %parallel_loop3A_428] : memref<64x128xf32, #tpu.memory_space<vmem>>[vector<16xi32>, vector<16xi32>], vector<16xf32>,
        %parallel_loop3A_441 = tpu.vector_load_idx %arg19[%add3A_46, %parallel_loop3A_428] : memref<64x128xf32, #tpu.memory_space<vmem>>[vector<16xi32>, vector<16xi32>], vector<16xf32>,
        %parallel_loop3A_442 = arith.mulf %parallel_loop3A_440, %parallel_loop3A_441 : vector<16xf32>
        %parallel_loop3A_443 = arith.mulf %parallel_loop3A_442, %parallel_loop3A_429 : vector<16xf32>
        %parallel_loop3A_444 = arith.addf %parallel_loop3A_422, %parallel_loop3A_443 : vector<16xf32>
        %parallel_loop3A_445 = tpu.vector_load_idx %arg15[%add3A_49, %parallel_loop3A_428] : memref<64x128xf32, #tpu.memory_space<vmem>>[vector<16xi32>, vector<16xi32>], vector<16xf32>,
        %parallel_loop3A_446 = tpu.vector_load_idx %arg19[%add3A_49, %parallel_loop3A_428] : memref<64x128xf32, #tpu.memory_space<vmem>>[vector<16xi32>, vector<16xi32>], vector<16xf32>,
        %parallel_loop3A_447 = arith.mulf %parallel_loop3A_445, %parallel_loop3A_446 : vector<16xf32>
        %parallel_loop3A_448 = arith.mulf %parallel_loop3A_447, %parallel_loop3A_429 : vector<16xf32>
        %parallel_loop3A_449 = arith.addf %parallel_loop3A_423, %parallel_loop3A_448 : vector<16xf32>
        scf.yield %parallel_loop3A_434, %parallel_loop3A_439, %parallel_loop3A_444, %parallel_loop3A_449 : vector<16xf32>, vector<16xf32>, vector<16xf32>, vector<16xf32>
      } {sc.loop_unroll_factor = 1 : i64, sc.parallel_access}
      %ge3A_270 = arith.constant 4 : i32
      %ge3A_271 = arith.cmpi sge, %add3A_248, %ge3A_270 : i32
      %convert_element_type3A_272 = arith.extui %ge3A_271 : i1 to i32
      %cond3A_273 = arith.constant 0 : i32
      %cond3A_274 = arith.cmpi ne, %convert_element_type3A_272, %cond3A_273 : i32
      scf.if %cond3A_274 {
        %dma_wait3A_419 = arith.constant 0 : i32
        %dma_wait3A_420 = tpu.memref_slice %arg8[%dma_wait3A_419] : memref<16384xf32, #tpu.memory_space<hbm>> -> memref<64xf32, #tpu.memory_space<hbm>>
        %dma_wait3A_421 = arith.constant 0 : i32
        %dma_wait3A_422 = tpu.memref_slice %arg8[%dma_wait3A_421] : memref<16384xf32, #tpu.memory_space<hbm>> -> memref<64xf32, #tpu.memory_space<hbm>>
        tpu.wait_dma2 semaphore(%arg39 : memref<!tpu.dma_semaphore, #tpu.memory_space<semaphore_mem>>) src(%arg23 : memref<64xf32, #tpu.memory_space<vmem>>) dst(%dma_wait3A_422 : memref<64xf32, #tpu.memory_space<hbm>>)
      } else {
      }
      %add3A_275 = arith.addf %parallel_loop3A_269#0, %gather3A : vector<16xf32>
      %neg3A_276 = arith.constant 0.000000e+00 : f32
      %neg3A_277 = vector.broadcast %neg3A_276 : f32 to vector<16xf32>
      %neg3A_278 = arith.subf %neg3A_277, %add3A_275 : vector<16xf32>
      %exp3A_279 = math.exp %neg3A_278 : vector<16xf32>
      %add3A_280 = arith.constant 1.000000e+00 : f32
      %add3A_281 = vector.broadcast %add3A_280 : f32 to vector<16xf32>
      %add3A_282 = arith.addf %add3A_281, %exp3A_279 : vector<16xf32>
      %div3A_283 = arith.constant 1.000000e+00 : f32
      %div3A_284 = vector.broadcast %div3A_283 : f32 to vector<16xf32>
      %div3A_285 = arith.divf %div3A_284, %add3A_282 : vector<16xf32>
      %swap3A_286 = arith.constant 0 : index
      %swap3A_287 = tpu.vector_load %arg23[%swap3A_286] {strides = array<i32>} : memref<64xf32, #tpu.memory_space<vmem>>, vector<16xf32>,
      tpu.vector_store %arg23[%swap3A_286], %div3A_285 {strides = array<i32>} : memref<64xf32, #tpu.memory_space<vmem>>, vector<16xf32>,
      %add3A_288 = arith.addf %parallel_loop3A_269#1, %gather3A : vector<16xf32>
      %neg3A_289 = arith.constant 0.000000e+00 : f32
      %neg3A_290 = vector.broadcast %neg3A_289 : f32 to vector<16xf32>
      %neg3A_291 = arith.subf %neg3A_290, %add3A_288 : vector<16xf32>
      %exp3A_292 = math.exp %neg3A_291 : vector<16xf32>
      %add3A_293 = arith.constant 1.000000e+00 : f32
      %add3A_294 = vector.broadcast %add3A_293 : f32 to vector<16xf32>
      %add3A_295 = arith.addf %add3A_294, %exp3A_292 : vector<16xf32>
      %div3A_296 = arith.constant 1.000000e+00 : f32
      %div3A_297 = vector.broadcast %div3A_296 : f32 to vector<16xf32>
      %div3A_298 = arith.divf %div3A_297, %add3A_295 : vector<16xf32>
      %swap3A_299 = arith.constant 16 : index
      %swap3A_300 = tpu.vector_load %arg23[%swap3A_299] {strides = array<i32>} : memref<64xf32, #tpu.memory_space<vmem>>, vector<16xf32>,
      tpu.vector_store %arg23[%swap3A_299], %div3A_298 {strides = array<i32>} : memref<64xf32, #tpu.memory_space<vmem>>, vector<16xf32>,
      %add3A_301 = arith.addf %parallel_loop3A_269#2, %gather3A : vector<16xf32>
      %neg3A_302 = arith.constant 0.000000e+00 : f32
      %neg3A_303 = vector.broadcast %neg3A_302 : f32 to vector<16xf32>
      %neg3A_304 = arith.subf %neg3A_303, %add3A_301 : vector<16xf32>
      %exp3A_305 = math.exp %neg3A_304 : vector<16xf32>
      %add3A_306 = arith.constant 1.000000e+00 : f32
      %add3A_307 = vector.broadcast %add3A_306 : f32 to vector<16xf32>
      %add3A_308 = arith.addf %add3A_307, %exp3A_305 : vector<16xf32>
      %div3A_309 = arith.constant 1.000000e+00 : f32
      %div3A_310 = vector.broadcast %div3A_309 : f32 to vector<16xf32>
      %div3A_311 = arith.divf %div3A_310, %add3A_308 : vector<16xf32>
      %swap3A_312 = arith.constant 32 : index
      %swap3A_313 = tpu.vector_load %arg23[%swap3A_312] {strides = array<i32>} : memref<64xf32, #tpu.memory_space<vmem>>, vector<16xf32>,
      tpu.vector_store %arg23[%swap3A_312], %div3A_311 {strides = array<i32>} : memref<64xf32, #tpu.memory_space<vmem>>, vector<16xf32>,
      %add3A_314 = arith.addf %parallel_loop3A_269#3, %gather3A : vector<16xf32>
      %neg3A_315 = arith.constant 0.000000e+00 : f32
      %neg3A_316 = vector.broadcast %neg3A_315 : f32 to vector<16xf32>
      %neg3A_317 = arith.subf %neg3A_316, %add3A_314 : vector<16xf32>
      %exp3A_318 = math.exp %neg3A_317 : vector<16xf32>
      %add3A_319 = arith.constant 1.000000e+00 : f32
      %add3A_320 = vector.broadcast %add3A_319 : f32 to vector<16xf32>
      %add3A_321 = arith.addf %add3A_320, %exp3A_318 : vector<16xf32>
      %div3A_322 = arith.constant 1.000000e+00 : f32
      %div3A_323 = vector.broadcast %div3A_322 : f32 to vector<16xf32>
      %div3A_324 = arith.divf %div3A_323, %add3A_321 : vector<16xf32>
      %swap3A_325 = arith.constant 48 : index
      %swap3A_326 = tpu.vector_load %arg23[%swap3A_325] {strides = array<i32>} : memref<64xf32, #tpu.memory_space<vmem>>, vector<16xf32>,
      tpu.vector_store %arg23[%swap3A_325], %div3A_324 {strides = array<i32>} : memref<64xf32, #tpu.memory_space<vmem>>, vector<16xf32>,
      %mul3A_327 = arith.constant 64 : i32
      %mul3A_328 = arith.muli %add3A_248, %mul3A_327 : i32
      %add3A_329 = arith.addi %mul3A_2, %mul3A_328 : i32
      %multiple_of3A_330 = tpu.assume_multiple %add3A_329, 64 : i32
      %dma_start3A_331 = tpu.memref_slice %arg8[%multiple_of3A_330] : memref<16384xf32, #tpu.memory_space<hbm>> -> memref<64xf32, #tpu.memory_space<hbm>>
      %dma_start3A_332 = tpu.memref_slice %arg8[%multiple_of3A_330] : memref<16384xf32, #tpu.memory_space<hbm>> -> memref<64xf32, #tpu.memory_space<hbm>>
      tpu.enqueue_dma source(%arg23 : memref<64xf32, #tpu.memory_space<vmem>>) target(%dma_start3A_332 : memref<64xf32, #tpu.memory_space<hbm>>) target_semaphore(%arg39 : memref<!tpu.dma_semaphore, #tpu.memory_space<semaphore_mem>>)
      %add3A_333 = arith.constant 3 : i32
      %add3A_334 = arith.addi %add3A_83, %add3A_333 : i32
      %add3A_335 = arith.constant 3 : i32
      %add3A_336 = arith.addi %add3A_334, %add3A_335 : i32
      %lt3A_337 = arith.constant 8 : i32
      %lt3A_338 = arith.cmpi slt, %add3A_336, %lt3A_337 : i32
      %convert_element_type3A_339 = arith.extui %lt3A_338 : i1 to i32
      %cond3A_340 = arith.constant 0 : i32
      %cond3A_341 = arith.cmpi ne, %convert_element_type3A_339, %cond3A_340 : i32
      scf.if %cond3A_341 {
        %add3A_419 = arith.constant 3 : i32
        %add3A_420 = arith.addi %add3A_334, %add3A_419 : i32
        %mul3A_421 = arith.constant 64 : i32
        %mul3A_422 = arith.muli %add3A_420, %mul3A_421 : i32
        %multiple_of3A_423 = tpu.assume_multiple %mul3A_422, 64 : i32
        %dma_start3A_424 = tpu.memref_slice %arg9[%multiple_of3A_423] : memref<512xi32, #tpu.memory_space<vmem>> -> memref<64xi32, #tpu.memory_space<vmem>>
        %dma_start3A_425 = arith.constant 0 : i32
        %dma_start3A_426 = arith.constant 0 : i32
        %dma_start3A_427 = tpu.memref_slice %arg4[%dma_start3A_425, %dma_start3A_426] : memref<100000x128xf32, #tpu.memory_space<hbm>> -> memref<100000x128xf32, #tpu.memory_space<hbm>>
        tpu.enqueue_indirect_dma source(%dma_start3A_427 : memref<100000x128xf32, #tpu.memory_space<hbm>>) target(%arg15 : memref<64x128xf32, #tpu.memory_space<vmem>>) offsets(%dma_start3A_424 : memref<64xi32, #tpu.memory_space<vmem>>) semaphore(%arg31 : memref<!tpu.dma_semaphore, #tpu.memory_space<semaphore_mem>>)
        %dma_start3A_428 = tpu.memref_slice %arg10[%multiple_of3A_423] : memref<512xi32, #tpu.memory_space<vmem>> -> memref<64xi32, #tpu.memory_space<vmem>>
        %dma_start3A_429 = arith.constant 0 : i32
        %dma_start3A_430 = arith.constant 0 : i32
        %dma_start3A_431 = tpu.memref_slice %arg5[%dma_start3A_429, %dma_start3A_430] : memref<100000x128xf32, #tpu.memory_space<hbm>> -> memref<100000x128xf32, #tpu.memory_space<hbm>>
        tpu.enqueue_indirect_dma source(%dma_start3A_431 : memref<100000x128xf32, #tpu.memory_space<hbm>>) target(%arg19 : memref<64x128xf32, #tpu.memory_space<vmem>>) offsets(%dma_start3A_428 : memref<64xi32, #tpu.memory_space<vmem>>) semaphore(%arg35 : memref<!tpu.dma_semaphore, #tpu.memory_space<semaphore_mem>>)
      } else {
      }
      %dma_wait3A_342 = arith.constant 0 : i32
      %dma_wait3A_343 = tpu.memref_slice %arg9[%dma_wait3A_342] : memref<512xi32, #tpu.memory_space<vmem>> -> memref<64xi32, #tpu.memory_space<vmem>>
      %dma_wait3A_344 = arith.constant 0 : i32
      %dma_wait3A_345 = arith.constant 0 : i32
      %dma_wait3A_346 = tpu.memref_slice %arg4[%dma_wait3A_344, %dma_wait3A_345] : memref<100000x128xf32, #tpu.memory_space<hbm>> -> memref<100000x128xf32, #tpu.memory_space<hbm>>
      tpu.wait_indirect_dma semaphore(%arg32 : memref<!tpu.dma_semaphore, #tpu.memory_space<semaphore_mem>>) src(%dma_wait3A_346 : memref<100000x128xf32, #tpu.memory_space<hbm>>) dst(%arg16 : memref<64x128xf32, #tpu.memory_space<vmem>>)
      %dma_wait3A_347 = arith.constant 0 : i32
      %dma_wait3A_348 = tpu.memref_slice %arg9[%dma_wait3A_347] : memref<512xi32, #tpu.memory_space<vmem>> -> memref<64xi32, #tpu.memory_space<vmem>>
      %dma_wait3A_349 = arith.constant 0 : i32
      %dma_wait3A_350 = arith.constant 0 : i32
      %dma_wait3A_351 = tpu.memref_slice %arg5[%dma_wait3A_349, %dma_wait3A_350] : memref<100000x128xf32, #tpu.memory_space<hbm>> -> memref<100000x128xf32, #tpu.memory_space<hbm>>
      tpu.wait_indirect_dma semaphore(%arg36 : memref<!tpu.dma_semaphore, #tpu.memory_space<semaphore_mem>>) src(%dma_wait3A_351 : memref<100000x128xf32, #tpu.memory_space<hbm>>) dst(%arg20 : memref<64x128xf32, #tpu.memory_space<vmem>>)
      %parallel_loop3A_352 = arith.constant 0 : i32
      %parallel_loop3A_353 = arith.constant 128 : i32
      %parallel_loop3A_354 = arith.constant 1 : i32
      %parallel_loop3A_355:4 = scf.for %parallel_loop3A_419 = %parallel_loop3A_352 to %parallel_loop3A_353 step %parallel_loop3A_354 iter_args(%parallel_loop3A_420 = %broadcast_in_dim3A_50, %parallel_loop3A_421 = %broadcast_in_dim3A_52, %parallel_loop3A_422 = %broadcast_in_dim3A_54, %parallel_loop3A_423 = %broadcast_in_dim3A_56) -> (vector<16xf32>, vector<16xf32>, vector<16xf32>, vector<16xf32>)  : i32 {
        %parallel_loop3A_424 = vector.broadcast %parallel_loop3A_419 : i32 to vector<16xi32>
        %parallel_loop3A_425 = arith.addi %iota3A, %parallel_loop3A_424 : vector<16xi32>
        %parallel_loop3A_426 = arith.constant 127 : i32
        %parallel_loop3A_427 = vector.broadcast %parallel_loop3A_426 : i32 to vector<16xi32>
        %parallel_loop3A_428 = arith.andi %parallel_loop3A_425, %parallel_loop3A_427 : vector<16xi32>
        %parallel_loop3A_429 = tpu.vector_load_idx %arg11[%parallel_loop3A_428] : memref<128xf32, #tpu.memory_space<vmem>>[vector<16xi32>], vector<16xf32>,
        %parallel_loop3A_430 = tpu.vector_load_idx %arg16[%add3A_40, %parallel_loop3A_428] : memref<64x128xf32, #tpu.memory_space<vmem>>[vector<16xi32>, vector<16xi32>], vector<16xf32>,
        %parallel_loop3A_431 = tpu.vector_load_idx %arg20[%add3A_40, %parallel_loop3A_428] : memref<64x128xf32, #tpu.memory_space<vmem>>[vector<16xi32>, vector<16xi32>], vector<16xf32>,
        %parallel_loop3A_432 = arith.mulf %parallel_loop3A_430, %parallel_loop3A_431 : vector<16xf32>
        %parallel_loop3A_433 = arith.mulf %parallel_loop3A_432, %parallel_loop3A_429 : vector<16xf32>
        %parallel_loop3A_434 = arith.addf %parallel_loop3A_420, %parallel_loop3A_433 : vector<16xf32>
        %parallel_loop3A_435 = tpu.vector_load_idx %arg16[%add3A_43, %parallel_loop3A_428] : memref<64x128xf32, #tpu.memory_space<vmem>>[vector<16xi32>, vector<16xi32>], vector<16xf32>,
        %parallel_loop3A_436 = tpu.vector_load_idx %arg20[%add3A_43, %parallel_loop3A_428] : memref<64x128xf32, #tpu.memory_space<vmem>>[vector<16xi32>, vector<16xi32>], vector<16xf32>,
        %parallel_loop3A_437 = arith.mulf %parallel_loop3A_435, %parallel_loop3A_436 : vector<16xf32>
        %parallel_loop3A_438 = arith.mulf %parallel_loop3A_437, %parallel_loop3A_429 : vector<16xf32>
        %parallel_loop3A_439 = arith.addf %parallel_loop3A_421, %parallel_loop3A_438 : vector<16xf32>
        %parallel_loop3A_440 = tpu.vector_load_idx %arg16[%add3A_46, %parallel_loop3A_428] : memref<64x128xf32, #tpu.memory_space<vmem>>[vector<16xi32>, vector<16xi32>], vector<16xf32>,
        %parallel_loop3A_441 = tpu.vector_load_idx %arg20[%add3A_46, %parallel_loop3A_428] : memref<64x128xf32, #tpu.memory_space<vmem>>[vector<16xi32>, vector<16xi32>], vector<16xf32>,
        %parallel_loop3A_442 = arith.mulf %parallel_loop3A_440, %parallel_loop3A_441 : vector<16xf32>
        %parallel_loop3A_443 = arith.mulf %parallel_loop3A_442, %parallel_loop3A_429 : vector<16xf32>
        %parallel_loop3A_444 = arith.addf %parallel_loop3A_422, %parallel_loop3A_443 : vector<16xf32>
        %parallel_loop3A_445 = tpu.vector_load_idx %arg16[%add3A_49, %parallel_loop3A_428] : memref<64x128xf32, #tpu.memory_space<vmem>>[vector<16xi32>, vector<16xi32>], vector<16xf32>,
        %parallel_loop3A_446 = tpu.vector_load_idx %arg20[%add3A_49, %parallel_loop3A_428] : memref<64x128xf32, #tpu.memory_space<vmem>>[vector<16xi32>, vector<16xi32>], vector<16xf32>,
        %parallel_loop3A_447 = arith.mulf %parallel_loop3A_445, %parallel_loop3A_446 : vector<16xf32>
        %parallel_loop3A_448 = arith.mulf %parallel_loop3A_447, %parallel_loop3A_429 : vector<16xf32>
        %parallel_loop3A_449 = arith.addf %parallel_loop3A_423, %parallel_loop3A_448 : vector<16xf32>
        scf.yield %parallel_loop3A_434, %parallel_loop3A_439, %parallel_loop3A_444, %parallel_loop3A_449 : vector<16xf32>, vector<16xf32>, vector<16xf32>, vector<16xf32>
      } {sc.loop_unroll_factor = 1 : i64, sc.parallel_access}
      %ge3A_356 = arith.constant 4 : i32
      %ge3A_357 = arith.cmpi sge, %add3A_334, %ge3A_356 : i32
      %convert_element_type3A_358 = arith.extui %ge3A_357 : i1 to i32
      %cond3A_359 = arith.constant 0 : i32
      %cond3A_360 = arith.cmpi ne, %convert_element_type3A_358, %cond3A_359 : i32
      scf.if %cond3A_360 {
        %dma_wait3A_419 = arith.constant 0 : i32
        %dma_wait3A_420 = tpu.memref_slice %arg8[%dma_wait3A_419] : memref<16384xf32, #tpu.memory_space<hbm>> -> memref<64xf32, #tpu.memory_space<hbm>>
        %dma_wait3A_421 = arith.constant 0 : i32
        %dma_wait3A_422 = tpu.memref_slice %arg8[%dma_wait3A_421] : memref<16384xf32, #tpu.memory_space<hbm>> -> memref<64xf32, #tpu.memory_space<hbm>>
        tpu.wait_dma2 semaphore(%arg40 : memref<!tpu.dma_semaphore, #tpu.memory_space<semaphore_mem>>) src(%arg24 : memref<64xf32, #tpu.memory_space<vmem>>) dst(%dma_wait3A_422 : memref<64xf32, #tpu.memory_space<hbm>>)
      } else {
      }
      %add3A_361 = arith.addf %parallel_loop3A_355#0, %gather3A : vector<16xf32>
      %neg3A_362 = arith.constant 0.000000e+00 : f32
      %neg3A_363 = vector.broadcast %neg3A_362 : f32 to vector<16xf32>
      %neg3A_364 = arith.subf %neg3A_363, %add3A_361 : vector<16xf32>
      %exp3A_365 = math.exp %neg3A_364 : vector<16xf32>
      %add3A_366 = arith.constant 1.000000e+00 : f32
      %add3A_367 = vector.broadcast %add3A_366 : f32 to vector<16xf32>
      %add3A_368 = arith.addf %add3A_367, %exp3A_365 : vector<16xf32>
      %div3A_369 = arith.constant 1.000000e+00 : f32
      %div3A_370 = vector.broadcast %div3A_369 : f32 to vector<16xf32>
      %div3A_371 = arith.divf %div3A_370, %add3A_368 : vector<16xf32>
      %swap3A_372 = arith.constant 0 : index
      %swap3A_373 = tpu.vector_load %arg24[%swap3A_372] {strides = array<i32>} : memref<64xf32, #tpu.memory_space<vmem>>, vector<16xf32>,
      tpu.vector_store %arg24[%swap3A_372], %div3A_371 {strides = array<i32>} : memref<64xf32, #tpu.memory_space<vmem>>, vector<16xf32>,
      %add3A_374 = arith.addf %parallel_loop3A_355#1, %gather3A : vector<16xf32>
      %neg3A_375 = arith.constant 0.000000e+00 : f32
      %neg3A_376 = vector.broadcast %neg3A_375 : f32 to vector<16xf32>
      %neg3A_377 = arith.subf %neg3A_376, %add3A_374 : vector<16xf32>
      %exp3A_378 = math.exp %neg3A_377 : vector<16xf32>
      %add3A_379 = arith.constant 1.000000e+00 : f32
      %add3A_380 = vector.broadcast %add3A_379 : f32 to vector<16xf32>
      %add3A_381 = arith.addf %add3A_380, %exp3A_378 : vector<16xf32>
      %div3A_382 = arith.constant 1.000000e+00 : f32
      %div3A_383 = vector.broadcast %div3A_382 : f32 to vector<16xf32>
      %div3A_384 = arith.divf %div3A_383, %add3A_381 : vector<16xf32>
      %swap3A_385 = arith.constant 16 : index
      %swap3A_386 = tpu.vector_load %arg24[%swap3A_385] {strides = array<i32>} : memref<64xf32, #tpu.memory_space<vmem>>, vector<16xf32>,
      tpu.vector_store %arg24[%swap3A_385], %div3A_384 {strides = array<i32>} : memref<64xf32, #tpu.memory_space<vmem>>, vector<16xf32>,
      %add3A_387 = arith.addf %parallel_loop3A_355#2, %gather3A : vector<16xf32>
      %neg3A_388 = arith.constant 0.000000e+00 : f32
      %neg3A_389 = vector.broadcast %neg3A_388 : f32 to vector<16xf32>
      %neg3A_390 = arith.subf %neg3A_389, %add3A_387 : vector<16xf32>
      %exp3A_391 = math.exp %neg3A_390 : vector<16xf32>
      %add3A_392 = arith.constant 1.000000e+00 : f32
      %add3A_393 = vector.broadcast %add3A_392 : f32 to vector<16xf32>
      %add3A_394 = arith.addf %add3A_393, %exp3A_391 : vector<16xf32>
      %div3A_395 = arith.constant 1.000000e+00 : f32
      %div3A_396 = vector.broadcast %div3A_395 : f32 to vector<16xf32>
      %div3A_397 = arith.divf %div3A_396, %add3A_394 : vector<16xf32>
      %swap3A_398 = arith.constant 32 : index
      %swap3A_399 = tpu.vector_load %arg24[%swap3A_398] {strides = array<i32>} : memref<64xf32, #tpu.memory_space<vmem>>, vector<16xf32>,
      tpu.vector_store %arg24[%swap3A_398], %div3A_397 {strides = array<i32>} : memref<64xf32, #tpu.memory_space<vmem>>, vector<16xf32>,
      %add3A_400 = arith.addf %parallel_loop3A_355#3, %gather3A : vector<16xf32>
      %neg3A_401 = arith.constant 0.000000e+00 : f32
      %neg3A_402 = vector.broadcast %neg3A_401 : f32 to vector<16xf32>
      %neg3A_403 = arith.subf %neg3A_402, %add3A_400 : vector<16xf32>
      %exp3A_404 = math.exp %neg3A_403 : vector<16xf32>
      %add3A_405 = arith.constant 1.000000e+00 : f32
      %add3A_406 = vector.broadcast %add3A_405 : f32 to vector<16xf32>
      %add3A_407 = arith.addf %add3A_406, %exp3A_404 : vector<16xf32>
      %div3A_408 = arith.constant 1.000000e+00 : f32
      %div3A_409 = vector.broadcast %div3A_408 : f32 to vector<16xf32>
      %div3A_410 = arith.divf %div3A_409, %add3A_407 : vector<16xf32>
      %swap3A_411 = arith.constant 48 : index
      %swap3A_412 = tpu.vector_load %arg24[%swap3A_411] {strides = array<i32>} : memref<64xf32, #tpu.memory_space<vmem>>, vector<16xf32>,
      tpu.vector_store %arg24[%swap3A_411], %div3A_410 {strides = array<i32>} : memref<64xf32, #tpu.memory_space<vmem>>, vector<16xf32>,
      %mul3A_413 = arith.constant 64 : i32
      %mul3A_414 = arith.muli %add3A_334, %mul3A_413 : i32
      %add3A_415 = arith.addi %mul3A_2, %mul3A_414 : i32
      %multiple_of3A_416 = tpu.assume_multiple %add3A_415, 64 : i32
      %dma_start3A_417 = tpu.memref_slice %arg8[%multiple_of3A_416] : memref<16384xf32, #tpu.memory_space<hbm>> -> memref<64xf32, #tpu.memory_space<hbm>>
      %dma_start3A_418 = tpu.memref_slice %arg8[%multiple_of3A_416] : memref<16384xf32, #tpu.memory_space<hbm>> -> memref<64xf32, #tpu.memory_space<hbm>>
      tpu.enqueue_dma source(%arg24 : memref<64xf32, #tpu.memory_space<vmem>>) target(%dma_start3A_418 : memref<64xf32, #tpu.memory_space<hbm>>) target_semaphore(%arg40 : memref<!tpu.dma_semaphore, #tpu.memory_space<semaphore_mem>>)
    }
    %scan3A_62 = arith.constant 2 : i32
    %dma_wait3A_63 = arith.constant 0 : i32
    %dma_wait3A_64 = tpu.memref_slice %arg8[%dma_wait3A_63] : memref<16384xf32, #tpu.memory_space<hbm>> -> memref<64xf32, #tpu.memory_space<hbm>>
    %dma_wait3A_65 = arith.constant 0 : i32
    %dma_wait3A_66 = tpu.memref_slice %arg8[%dma_wait3A_65] : memref<16384xf32, #tpu.memory_space<hbm>> -> memref<64xf32, #tpu.memory_space<hbm>>
    tpu.wait_dma2 semaphore(%arg37 : memref<!tpu.dma_semaphore, #tpu.memory_space<semaphore_mem>>) src(%arg21 : memref<64xf32, #tpu.memory_space<vmem>>) dst(%dma_wait3A_66 : memref<64xf32, #tpu.memory_space<hbm>>)
    %dma_wait3A_67 = arith.constant 0 : i32
    %dma_wait3A_68 = tpu.memref_slice %arg8[%dma_wait3A_67] : memref<16384xf32, #tpu.memory_space<hbm>> -> memref<64xf32, #tpu.memory_space<hbm>>
    %dma_wait3A_69 = arith.constant 0 : i32
    %dma_wait3A_70 = tpu.memref_slice %arg8[%dma_wait3A_69] : memref<16384xf32, #tpu.memory_space<hbm>> -> memref<64xf32, #tpu.memory_space<hbm>>
    tpu.wait_dma2 semaphore(%arg38 : memref<!tpu.dma_semaphore, #tpu.memory_space<semaphore_mem>>) src(%arg22 : memref<64xf32, #tpu.memory_space<vmem>>) dst(%dma_wait3A_70 : memref<64xf32, #tpu.memory_space<hbm>>)
    %dma_wait3A_71 = arith.constant 0 : i32
    %dma_wait3A_72 = tpu.memref_slice %arg8[%dma_wait3A_71] : memref<16384xf32, #tpu.memory_space<hbm>> -> memref<64xf32, #tpu.memory_space<hbm>>
    %dma_wait3A_73 = arith.constant 0 : i32
    %dma_wait3A_74 = tpu.memref_slice %arg8[%dma_wait3A_73] : memref<16384xf32, #tpu.memory_space<hbm>> -> memref<64xf32, #tpu.memory_space<hbm>>
    tpu.wait_dma2 semaphore(%arg39 : memref<!tpu.dma_semaphore, #tpu.memory_space<semaphore_mem>>) src(%arg23 : memref<64xf32, #tpu.memory_space<vmem>>) dst(%dma_wait3A_74 : memref<64xf32, #tpu.memory_space<hbm>>)
    %dma_wait3A_75 = arith.constant 0 : i32
    %dma_wait3A_76 = tpu.memref_slice %arg8[%dma_wait3A_75] : memref<16384xf32, #tpu.memory_space<hbm>> -> memref<64xf32, #tpu.memory_space<hbm>>
    %dma_wait3A_77 = arith.constant 0 : i32
    %dma_wait3A_78 = tpu.memref_slice %arg8[%dma_wait3A_77] : memref<16384xf32, #tpu.memory_space<hbm>> -> memref<64xf32, #tpu.memory_space<hbm>>
    tpu.wait_dma2 semaphore(%arg40 : memref<!tpu.dma_semaphore, #tpu.memory_space<semaphore_mem>>) src(%arg24 : memref<64xf32, #tpu.memory_space<vmem>>) dst(%dma_wait3A_78 : memref<64xf32, #tpu.memory_space<hbm>>)
    return
  }
}

</mosaic_0001>

<sc_bundles>
// kernel: gmf_sc.3.cloned.1.call-start
scs
__scs_entry_jumppad:
0x0: {  	(pc) =	sbr.rel $0x88, $3  }
0x1: {  	(tag) =	ssettag $0x0;
	lr =	simm.s32 $0x1  }
0x2: {  	[smem:$0x3F9B] =	sst lr;
	_ =	strace $0xD0000000  }
0x3: {  	_ = 	snop  }
0x4: {  	_ = 	snop  }
0x5: {  	_ = 	snop  }
0x6: {  	_ = 	snop  }
0x7: {  	_ = 	snop  }
__scs_overlays_trampoline_lowered:
0x8: {  	[smem:$0x3FAA] =	sst s0  }
0x9: {  	[smem:$0x3FAB] =	sst s1  }
0xa: {  	[smem:$0x3FAC] =	sst s2  }
0xb: {  	[smem:$0x3FAD] =	sst s3  }
0xc: {  	[smem:$0x3FAE] =	sst s4  }
0xd: {  	[smem:$0x3FAF] =	sst s5  }
0xe: {  	[smem:$0x3FB0] =	sst s6  }
0xf: {  	[smem:$0x3FB1] =	sst s7  }
0x10: {  	[smem:$0x3FB2] =	sst s8  }
0x11: {  	[smem:$0x3FB3] =	sst s9;
	s0 =	simm.s32 @!p0 $0x0  }
0x12: {  	s1 =	sld [smem:$0x3F99];
	s0 =	simm.s32 @p0 $0x1  }
0x13: {  	[smem:$0x3FB4] =	sst s0;
	s0 =	simm.s32 @!p1 $0x0  }
0x14: {  	s2 =	sld [smem:$0x3F98];
	s0 =	simm.s32 @p1 $0x1  }
0x15: {  	[smem:$0x3FB5] =	sst s0;
	s0 =	simm.s32 @!p2 $0x0  }
0x16: {  	s3 =	sld [smem:$0x3FDB];
	s0 =	simm.s32 @p2 $0x1  }
0x17: {  	s4 =	simm.s32 $0x1BF5;
	[smem:$0x3FB7] =	sst s0  }
0x18: {  	s0 =	sld [smem:$0x3F9A];
	_ =	swait.ge [sflag:s4], $0x0  }
0x19: {  	s7 =	sld [smem:$0x3F9B]  }
0x1a: {  	s8 =	sadd.s32 $0xFFFFE003, lr  }
0x1b: {  	s9 =	sadd.s32 $0xFFFFFEF7, lr;
	s5 =	simm.s32 $0xFFFFFFFF;
	p2 =	slt.u32 s8, $0xFFFFF086  }
0x1c: {  	p1 =	slt.u32 s9, $0xF7A;
	s5 =	simm.s32 @!p2 $0x0  }
0x1d: {  	s5 =	simm.s32 @p1 $0x1;
	p0 =	seq.s32 s7, s2  }
0x1e: {  	s7 =	smul.u32 @!p0 $0xF7A, s2;
	p2 =	seq.s32 @!p0 s5, $0x0  }
0x1f: {  	s9 =	smul.u32 $0xF7A, s1;
	s8 =	simm.s32 @!p0 $0x1BF5;
	p2 =	por !p2, p0  }
0x20: {  	[sflag:s8] =	ssyncset.s32 @!p0 $0xFFFFF086;
	s6 =	sadd.s32 @!p0 s3, s7;
	s7 =	simm.s32 @!p0 $0x108  }
0x21: {  	s3 =	sadd.s32 s3, s9;
	s6 =	sadd.s32 @!p0 $0x88, s6;
	s7 =	simm.s32 @p2 $0x1082  }
0x22: {  	[simem:s7], [sflag:s8] =	dma.local @!p0 [hbm:s6], $0xF7A  }
0x23: {  	s9 =	sor.u32 $0xD0000000, s2;
	s6 =	simm.s32 $0x108;
	_ =	swait.ge @!p0 [sflag:s8], $0x0  }
0x24: {  	s3 =	sadd.s32 $0x88, s3;
	s6 =	simm.s32 @!p1 $0x1082;
	[sflag:s4] =	ssyncset.s32 $0xFFFFF086  }
0x25: {  	[simem:s6], [sflag:s4] =	dma.local [hbm:s3], $0xF7A  }
0x26: {  	[smem:$0x3F9B] =	sst s1;
	(tag) =	ssettag s2;
	_ =	strace s9  }
0x27: {  	s1 =	sld [smem:$0x3FAB]  }
0x28: {  	s2 =	sld [smem:$0x3FAC]  }
0x29: {  	s4 =	sld [smem:$0x3FAE]  }
0x2a: {  	p0 =	seq.s32 s5, $0x0;
	s5 =	sld [smem:$0x3FAF]  }
0x2b: {  	s6 =	sld [smem:$0x3FB0]  }
0x2c: {  	s7 =	sld [smem:$0x3FB1]  }
0x2d: {  	s3 =	simm.s32 $0x108;
	s8 =	sld [smem:$0x3FB2]  }
0x2e: {  	s3 =	simm.s32 @!p0 $0x1082;
	s9 =	sld [smem:$0x3FB3]  }
0x2f: {  	lr =	sadd.s32 s0, s3;
	s0 =	sld [smem:$0x3FAA]  }
0x30: {  	s3 =	sld [smem:$0x3FAD]  }
0x31: {  	[smem:$0x3FB6] =	sst s10  }
0x32: {  	s10 =	sld [smem:$0x3FB4];
	_ =	sdelay $0x3  }
0x33: {  	p0 =	seq.s32 s10, $0x1;
	s10 =	sld [smem:$0x3FB6];
	_ =	sdelay $0x3  }
0x34: {  	[smem:$0x3FB6] =	sst s10  }
0x35: {  	s10 =	sld [smem:$0x3FB5];
	_ =	sdelay $0x3  }
0x36: {  	p1 =	seq.s32 s10, $0x1;
	s10 =	sld [smem:$0x3FB6];
	_ =	sdelay $0x3  }
0x37: {  	[smem:$0x3FB6] =	sst s10  }
0x38: {  	s10 =	sld [smem:$0x3FB7]  }
0x39: {  	_ = 	snop;
	(pc) =	sbr.ind lr, $3  }
0x3a: {  	_ = 	snop  }
0x3b: {  	_ = 	snop  }
0x3c: {  	p2 =	seq.s32 s10, $0x1;
	s10 =	sld [smem:$0x3FB6]  }
0x3d: {  	_ =	shalt  }
0x3e: {  	_ =	shalt  }
0x3f: {  	_ =	shalt  }
0x40: {  	_ =	shalt  }
0x41: {  	_ =	shalt  }
0x42: {  	_ =	shalt  }
0x43: {  	_ =	shalt  }
0x44: {  	_ =	shalt  }
0x45: {  	_ =	shalt  }
0x46: {  	_ =	shalt  }
0x47: {  	_ =	shalt  }
0x48: {  	_ =	shalt  }
0x49: {  	_ =	shalt  }
0x4a: {  	_ =	shalt  }
0x4b: {  	_ =	shalt  }
0x4c: {  	_ =	shalt  }
0x4d: {  	_ =	shalt  }
0x4e: {  	_ =	shalt  }
0x4f: {  	_ =	shalt  }
0x50: {  	_ =	shalt  }
0x51: {  	_ =	shalt  }
0x52: {  	_ =	shalt  }
0x53: {  	_ =	shalt  }
0x54: {  	_ =	shalt  }
0x55: {  	_ =	shalt  }
0x56: {  	_ =	shalt  }
0x57: {  	_ =	shalt  }
0x58: {  	_ =	shalt  }
0x59: {  	_ =	shalt  }
0x5a: {  	_ =	shalt  }
0x5b: {  	_ =	shalt  }
0x5c: {  	_ =	shalt  }
0x5d: {  	_ =	shalt  }
0x5e: {  	_ =	shalt  }
0x5f: {  	_ =	shalt  }
0x60: {  	_ =	shalt  }
0x61: {  	_ =	shalt  }
0x62: {  	_ =	shalt  }
0x63: {  	_ =	shalt  }
0x64: {  	_ =	shalt  }
0x65: {  	_ =	shalt  }
0x66: {  	_ =	shalt  }
0x67: {  	_ =	shalt  }
0x68: {  	_ =	shalt  }
0x69: {  	_ =	shalt  }
0x6a: {  	_ =	shalt  }
0x6b: {  	_ =	shalt  }
0x6c: {  	_ =	shalt  }
0x6d: {  	_ =	shalt  }
0x6e: {  	_ =	shalt  }
0x6f: {  	_ =	shalt  }
0x70: {  	_ =	shalt  }
0x71: {  	_ =	shalt  }
0x72: {  	_ =	shalt  }
0x73: {  	_ =	shalt  }
0x74: {  	_ =	shalt  }
0x75: {  	_ =	shalt  }
0x76: {  	_ =	shalt  }
0x77: {  	_ =	shalt  }
0x78: {  	_ =	shalt  }
0x79: {  	_ =	shalt  }
0x7a: {  	_ =	shalt  }
0x7b: {  	_ =	shalt  }
0x7c: {  	_ =	shalt  }
0x7d: {  	_ =	shalt  }
0x7e: {  	_ =	shalt  }
0x7f: {  	_ =	shalt  }
0x80: {  	_ =	shalt  }
0x81: {  	_ =	shalt  }
0x82: {  	_ =	shalt  }
0x83: {  	_ =	shalt  }
0x84: {  	_ =	shalt  }
0x85: {  	_ =	shalt  }
0x86: {  	_ =	shalt  }
0x87: {  	_ =	shalt  }
.Lfunc_end0:
.L_simem_size_0:
called_computation_lowered:
.L_overlay_start_0:
0x88: {  	s2 =	sld [smem:$0x3FD9]  }
0x89: {  	s3 =	sld [smem:$0x3FFE];
	_ =	sdelay $0x1  }
0x8a: {  	s1 =	srdreg.scid  }
0x8b: {  	s0 =	sand.u32 $0x1, s1  }
0x8c: {  	s18 =	sshll.u32 s0, $0xA;
	s2 =	sadd.s32 s3, s2  }
0x8d: {  	s2 =	sadd.s32 s2, s18  }
0x8e: {  	[smem:$0x3FC2] =	sst s2  }
0x8f: {  	_ = 	snop  }
0x90: {  	s2 =	sld [smem:$0x3FC9]  }
0x91: {  	s19 =	sld [smem:$0x3FC8]  }
0x92: {  	s4 =	sld [smem:$0x3FC7]  }
0x93: {  	s5 =	sld [smem:$0x3FC6]  }
0x94: {  	s6 =	sld [smem:$0x3FC5]  }
0x95: {  	s7 =	sld [smem:$0x3FC4]  }
0x96: {  	s8 =	sld [smem:$0x3FD0];
	(tm) =	ssettm $0x1  }
0x97: {  	s9 =	sld [smem:$0x3FFB];
	_ =	sdelay $0x3  }
0x98: {  	_ =	strace s9  }
0x99: {  	s9 =	sld [smem:$0x3FFC];
	_ =	sdelay $0x3  }
0x9a: {  	_ =	strace s9  }
0x9b: {  	s9 =	sld [smem:$0x3FFD];
	_ =	sdelay $0x3  }
0x9c: {  	_ =	strace s9  }
0x9d: {  	_ =	strace $0x8FFFFFFF  }
0x9e: {  	s20 =	sld [smem:$0x3FDB];
	_ =	sdelay $0x1  }
0x9f: {  	s10 =	simm.s32 $_scs_section_size  }
0xa0: {  	s11 =	simm.s32 $_size__tile_overlayer_lowered;
	s12 =	simm.s32 $_tile_overlayer_lowered  }
0xa1: {  	s23 =	simm.s32 $0x1BFF;
	s22 =	sshll.u32 s12, $0x1;
	s9 =	sadd.s32 s10, s20  }
0xa2: {  	s13 =	simm.s32 $0x0;
	s21 =	sshll.u32 s11, $0x1;
	s11 =	sadd.s32 s22, s9  }
0xa3: {  	[timem:s13], [sflag:s23] =	dma.local [hbm:s11], s21  }
0xa4: {  	_ =	swait.ge [sflag:s23], s21  }
0xa5: {  	s10 =	ssub.s32 $0x0, s21;
	[sflag:s23] =	ssyncset.done $0x0  }
0xa6: {  	[sflag:s23] =	ssyncadd.s32 s10;
	_ =	sdelay $0x1  }
0xa7: {  	s24 =	simm.s32 $0x1B8B  }
0xa8: {  	_ =	swait.ge [sflag:s24], $0x1  }
0xa9: {  	[sflag:s24] =	ssyncset.done $0x0  }
0xaa: {  	s25 =	simm.s32 $0x1B8E;
	[sflag:s24] =	ssyncadd.s32 $0xFFFFFFFF  }
0xab: {  	s26 =	simm.s32 $execute0_lowered;
	[smem:$0x3FD2] =	sst s25  }
0xac: {  	s10 =	sshll.u32 s26, $0x1;
	_ =	strace $0x80000046;
	[dreg:$0x1] =	wrdreg $0xFFFFFFFF  }
0xad: {  	s28 =	simm.s32 $_size_execute0_lowered;
	s9 =	sadd.s32 s9, s10;
	[dreg:$0x0] =	wrdreg $0x0  }
0xae: {  	s10 =	sshll.u32 s28, $0x1;
	[dreg:$0x2] =	wrdreg s9  }
0xaf: {  	[dreg:$0x3] =	wrdreg s10  }
0xb0: {  	[dreg:$0x4] =	wrdreg $0xC0  }
0xb1: {  	_ =	task [dreg:s13], $0x5FFFF  }
0xb2: {  	[dreg:$0x1] =	wrdreg $0xFFFFFFFF  }
0xb3: {  	[dreg:$0x0] =	wrdreg $0x60  }
0xb4: {  	[dreg:$0x2] =	wrdreg s2  }
0xb5: {  	[dreg:$0x3] =	wrdreg s19  }
0xb6: {  	[dreg:$0x4] =	wrdreg s4  }
0xb7: {  	[dreg:$0x5] =	wrdreg s5  }
0xb8: {  	[dreg:$0x6] =	wrdreg s6  }
0xb9: {  	[dreg:$0x7] =	wrdreg s7  }
0xba: {  	[dreg:$0x8] =	wrdreg s8  }
0xbb: {  	[dreg:$0x9] =	wrdreg $0x9  }
0xbc: {  	_ =	task.clear_ibuf [dreg:s13], $0xAFFFF;
	_ =	strace $0x90000046  }
0xbd: {  	s29 =	simm.s32 $0x9;
	_ =	strace $0x80000048  }
0xbe: {  	_ =	swait.ge [sflag:s29], $0x1  }
0xbf: {  	[sflag:s29] =	ssyncadd.s32 $0xFFFFFFFF  }
0xc0: {  	_ =	strace $0x90000048  }
0xc1: {  	_ =	sfence  }
0xc2: {  	s30 =	sld [smem:$0x0];
	_ =	sdelay $0x2  }
0xc3: {  	s31 =	sshll.u32 s1, $0xD;
	s1 =	sshrl.u32 s1, $0x2  }
0xc4: {  	s3 =	sand.u32 $0x4000, s31;
	s1 =	sadd.s32 s1, s30  }
0xc5: {  	s0 =	sor.u32 s3, s0;
	s1 =	sshll.u32 s1, $0x11  }
0xc6: {  	s0 =	sor.u32 s1, s0  }
0xc7: {  	s0 =	sadd.s32 $0x8F2B, s0  }
0xc8: {  	[sflag:s0] =	ssyncadd.remote.s32 $0x1  }
0xc9: {  	_ =	sfence.sel $0xFFFF  }
0xca: {  	[dreg:$0x0] =	wrdreg $0xFFFFFFFF;
	(pc) =	sbr.abs _section_cstart, $3  }
0xcb: {  	[dreg:$0x1] =	wrdreg $0xFFFFFFFF  }
0xcc: {  	_ =	task.clear_ibuf [dreg:s13], $0x2FFFF;
	_ =	strace $0x9FFFFFFF  }
0xcd: {  	(tm) =	ssettm $0x7FFFFFFF  }
tec
execute0_lowered:
.L_overlay_start_1:
0x0: {  	(tag) =	ssettag $0x1  }
0x1: {  	s0 =	rddreg [dreg:$0x0]  }
0x2: {  	s3 =	rddreg [dreg:$0x1]  }
0x3: {  	s1 =	rddreg [dreg:$0x2]  }
0x4: {  	s2 =	rddreg [dreg:$0x3]  }
0x5: {  	s6 =	rddreg [dreg:$0x6];
	s4 =	srdreg.scid  }
0x6: {  	s7 =	simm.s32 $0x0;
	s8 =	stileid.u32;
	s13 =	simm.s32 $0x400  }
0x7: {  	s17 =	simm.s32 $0x40;
	s18 =	simm.s32 $0x500;
	s19 =	simm.s32 $0x8500  }
0x8: {  	s20 =	simm.s32 $0x2500;
	s22 =	simm.s32 $0xA500;
	s24 =	simm.s32 $0x4500  }
0x9: {  	s30 =	simm.s32 $0x6500;
	s31 =	simm.s32 $0xE500;
	s21 =	simm.s32 $0xA  }
0xa: {  	s12 =	simm.s32 $0xB;
	s14 =	simm.s32 $0x10600;
	s10 =	simm.s32 $0xC  }
0xb: {  	s11 =	simm.s32 $0x10680;
	s4 =	sand.u32 $0x1, s4;
	s8 =	sshll.u32 s8, $0xA  }
0xc: {  	[smem:$0x7FF] =	sst s7;
	s5 =	ssub.s32 $0x2, s4;
	s4 =	sshll.u32 s4, $0x9  }
0xd: {  	s16 =	simm.s32 $0x0;
	_ =	strace $0x80000047;
	s8 =	sor.u32 s4, s8  }
0xe: {  	s9 =	sshrl.u32 s5, $0x1;
	s4 =	simm.s32 $0x6;
	s26 =	sshrl.u32 s8, $0x3  }
0xf: {  	v0 =	vlaneseq.u32;
	s25 =	ssub.s32 s5, s9;
	s5 =	simm.s32 $0x9;
	s0 =	sadd.s32 s0, s26  }
0x10: {  	v1 =	vmul.u32 $0x80, v0;
	s9 =	simm.s32 $0x8;
	s28 =	sadd.s32 s3, s26;
	[dreg:$0x8] =	wrdreg s0  }
0x11: {  	s29 =	smax.u32 s25, $0x1;
	s26 =	simm.s32 $0xC500;
	[dreg:$0x9] =	wrdreg s28  }
0x12: {  	v2 =	vor.u32 $0x800, v1;
	v3 =	vor.u32 $0x1000, v1;
	v4 =	vor.u32 $0x1800, v1;
	s25 =	simm.s32 $0x7;
	[dreg:$0xa] =	wrdreg s29;
	s0 =	simm.s32 $0x5  }
.LBB2_1:
0x13: {  	[dreg:$0xb] =	wrdreg s16  }
0x14: {  	s3 =	rddreg [dreg:$0x8]  }
0x15: {  	[tilespmem:s7], [sflag:$0x1] =	stream.linear.gather [hbm4b:s3+s7], $0x200, $0x38;
	[tilespmem:$0x10700] =	vst v63  }
0x16: {  	s16 =	rddreg [dreg:$0x9];
	s15 =	simm.s32 $0x200  }
0x17: {  	[tilespmem:s15], [sflag:$0x2] =	stream.linear.gather [hbm4b:s16+s7], $0x200, $0x38;
	[tilespmem:$0x10700] =	vst v63  }
0x18: {  	s23 =	rddreg [dreg:$0x4]  }
0x19: {  	[tilespmem:s13], [sflag:$0x3] =	stream.linear.gather [hbm4b:s23+s7], $0x80, $0x38;
	[tilespmem:$0x10700] =	vst v63  }
0x1a: {  	s29 =	rddreg [dreg:$0x5];
	s16 =	simm.s32 $0x480;
	s23 =	simm.s32 $0x1  }
0x1b: {  	[tilespmem:s16], [sflag:$0x4] =	stream.linear.gather [hbm4b:s29+s7], $0x80, $0x38;
	[tilespmem:$0x10700] =	vst v63  }
0x1c: {  	_ =	swait.ge [sflag:s23], $0x200  }
0x1d: {  	[sflag:s23] =	ssyncset.done $0x0  }
0x1e: {  	s29 =	simm.s32 $0x2;
	[sflag:s23] =	ssyncadd.s32 $0xFFFFFE00  }
0x1f: {  	_ =	swait.ge [sflag:s29], $0x200  }
0x20: {  	[sflag:s29] =	ssyncset.done $0x0  }
0x21: {  	[sflag:s29] =	ssyncadd.s32 $0xFFFFFE00  }
0x22: {  	[tilespmem:s18], [sflag:$0x5] =	stream.indirect.gather [hbm4b:s1+s17], $0x80, s7, s17, $0xb8;
	[tilespmem:$0x10700] =	vst v63  }
0x23: {  	_ = 	snop  }
0x24: {  	[tilespmem:s19], [sflag:$0x9] =	stream.indirect.gather [hbm4b:s2+s17], $0x80, s15, s17, $0xb8;
	[tilespmem:$0x10700] =	vst v63  }
0x25: {  	_ = 	snop  }
0x26: {  	[tilespmem:s20], [sflag:$0x6] =	stream.indirect.gather [hbm4b:s1+s17], $0x80, s17, s17, $0xb8;
	[tilespmem:$0x10700] =	vst v63  }
0x27: {  	s23 =	simm.s32 $0x240  }
0x28: {  	[tilespmem:s22], [sflag:$0xA] =	stream.indirect.gather [hbm4b:s2+s17], $0x80, s23, s17, $0xb8;
	[tilespmem:$0x10700] =	vst v63  }
0x29: {  	s29 =	simm.s32 $0x80  }
0x2a: {  	[tilespmem:s24], [sflag:$0x7] =	stream.indirect.gather [hbm4b:s1+s17], $0x80, s29, s17, $0xb8;
	[tilespmem:$0x10700] =	vst v63  }
0x2b: {  	s15 =	simm.s32 $0x280;
	s23 =	simm.s32 $0x3  }
0x2c: {  	[tilespmem:s26], [sflag:$0xB] =	stream.indirect.gather [hbm4b:s2+s17], $0x80, s15, s17, $0xb8;
	[tilespmem:$0x10700] =	vst v63  }
0x2d: {  	_ =	swait.ge [sflag:s23], $0x80  }
0x2e: {  	[sflag:s23] =	ssyncset.done $0x0  }
0x2f: {  	s29 =	simm.s32 $0x4;
	[sflag:s23] =	ssyncadd.s32 $0xFFFFFF80  }
0x30: {  	_ =	swait.ge [sflag:s29], $0x80  }
0x31: {  	[sflag:s29] =	ssyncset.done $0x0  }
0x32: {  	[sflag:s29] =	ssyncadd.s32 $0xFFFFFF80  }
0x33: {  	p1 =	por $0x1, $0x1;
	s28 =	simm.s32 $0x0;
	v5 =	vld.msk [tilespmem:s16+$0x0], $0xffff  }
.LBB2_2:
0x34: {  	s16 =	sor.u32 $0xC0, s28  }
0x35: {  	[tilespmem:s30], [sflag:$0x8] =	stream.indirect.gather [hbm4b:s1+s17], $0x80, s16, s17, $0xb8;
	[tilespmem:$0x10700] =	vst v63  }
0x36: {  	s29 =	sadd.s32 $0x2C0, s28;
	s15 =	simm.s32 $0x0  }
0x37: {  	v6 =	vadd.s32 s15, v0;
	[tilespmem:s31], [sflag:$0xC] =	stream.indirect.gather [hbm4b:s2+s17], $0x80, s29, s17, $0xb8;
	[tilespmem:$0x10700] =	vst v63  }
0x38: {  	v6 =	vand.u32 $0x7F, v6;
	_ =	swait.ge [sflag:s0], $0x2000  }
0x39: {  	v7 =	vor.u32 v4, v6;
	[sflag:s0] =	ssyncset.done $0x0  }
0x3a: {  	[sflag:s0] =	ssyncadd.s32 $0xFFFFE000  }
0x3b: {  	v9 =	vor.u32 v1, v6;
	_ =	swait.ge [sflag:s5], $0x2000  }
0x3c: {  	[sflag:s5] =	ssyncset.done $0x0  }
0x3d: {  	[sflag:s5] =	ssyncadd.s32 $0xFFFFE000  }
0x3e: {  	v10 =	vor.u32 v2, v6;
	v12 =	vld.idx.msk [tilespmem:v7+s18+$0x0], $0xffff  }
0x3f: {  	s3 =	simm.s32 $0x1;
	v7 =	vld.idx.msk [tilespmem:v7+s19+$0x0], $0xffff  }
0x40: {  	v8 =	vadd.s32 s3, v0;
	v13 =	vor.u32 v3, v6;
	v14 =	vld.idx.msk [tilespmem:v9+s18+$0x0], $0xffff  }
0x41: {  	v21 =	vand.u32 $0x7F, v8;
	v8 =	vld.idx.msk [tilespmem:v6+s13+$0x0], $0xffff  }
0x42: {  	v18 =	vor.u32 v1, v21;
	v9 =	vld.idx.msk [tilespmem:v9+s19+$0x0], $0xffff  }
0x43: {  	v6 =	vor.u32 v4, v21;
	v23 =	vld.idx.msk [tilespmem:v10+s18+$0x0], $0xffff  }
0x44: {  	v24 =	vld.idx.msk [tilespmem:v10+s19+$0x0], $0xffff  }
0x45: {  	v11 =	vld.idx.msk [tilespmem:v13+s18+$0x0], $0xffff  }
0x46: {  	v13 =	vld.idx.msk [tilespmem:v13+s19+$0x0], $0xffff;
	v10 =	vmul.f32 v7, v12  }
0x47: {  	v16 =	vimm.f32 $0.0e+00;
	s23 =	simm.s32 $0x2;
	v17 =	vor.u32 v2, v21;
	v20 =	vld.idx.msk [tilespmem:v18+s18+$0x0], $0xffff;
	v12 =	vmul.f32 v9, v14  }
0x48: {  	v15 =	vor.u32 v3, v21;
	v7 =	vld.idx.msk [tilespmem:v6+s18+$0x0], $0xffff;
	v14 =	vadd.s32 s23, v0;
	v10 =	vmul.f32 v10, v8  }
0x49: {  	v9 =	vld.idx.msk [tilespmem:v6+s19+$0x0], $0xffff;
	v19 =	vand.u32 $0x7F, v14;
	v14 =	vimm.f32 $0.0e+00;
	v22 =	vmul.f32 v12, v8  }
0x4a: {  	p0 =	por p1, p1;
	s29 =	simm.s32 $0x3;
	v12 =	vimm.f32 $0.0e+00;
	v6 =	vadd.f32 v10, v16;
	v10 =	vld.idx.msk [tilespmem:v21+s13+$0x0], $0xffff;
	v21 =	vmul.f32 v24, v23  }
.LBB2_3:
0x4b: {  	p1 =	sne.s32 s29, $0x7F;
	v23 =	vor.u32 v2, v19;
	v24 =	vor.u32 v4, v19;
	v25 =	vld.idx.msk [tilespmem:v18+s19+$0x0], $0xffff;
	v18 =	vor.u32 v1, v19  }
0x4c: {  	v26 =	vor.u32 v3, v19;
	v13 =	vmul.f32 v13, v11;
	v27 =	vld.idx.msk [tilespmem:v17+s18+$0x0], $0xffff;
	v21 =	vmul.f32 v21, v8  }
0x4d: {  	v16 =	vadd.f32 v22, v16;
	v28 =	vld.idx.msk [tilespmem:v17+s19+$0x0], $0xffff;
	v17 =	vmov v23  }
0x4e: {  	v9 =	vmul.f32 v9, v7;
	v22 =	vmul.f32 v13, v8;
	v11 =	vld.idx.msk [tilespmem:v15+s18+$0x0], $0xffff;
	v14 =	vadd.f32 v21, v14  }
.Ltmp0:
0x4f: {  	v13 =	vld.idx.msk [tilespmem:v15+s19+$0x0], $0xffff;
	v15 =	vmov v26;
	(pc) =	sbr.rel @p1 .LBB2_3-.Ltmp0, $4  }
0x50: {  	v21 =	vmul.f32 v9, v10;
	v12 =	vadd.f32 v22, v12;
	v8 =	vmov v10;
	v7 =	vld.idx.msk [tilespmem:v24+s18+$0x0], $0xffff  }
0x51: {  	v22 =	vmul.f32 v25, v20;
	v9 =	vld.idx.msk [tilespmem:v24+s19+$0x0], $0xffff  }
0x52: {  	v23 =	vadd.s32 s29, v0;
	v6 =	vadd.f32 v21, v6;
	v20 =	vld.idx.msk [tilespmem:v18+s18+$0x0], $0xffff  }
0x53: {  	s29 =	sadd.s32 $0x1, s29;
	v22 =	vmul.f32 v22, v8;
	v21 =	vmul.f32 v28, v27;
	v10 =	vld.idx.msk [tilespmem:v19+s13+$0x0], $0xffff;
	v19 =	vand.u32 $0x7F, v23  }
0x54: {  	v23 =	vor.u32 v1, v19;
	_ =	sdelay $0x3  }
0x55: {  	v18 =	vld.idx.msk [tilespmem:v18+s19+$0x0], $0xffff  }
0x56: {  	v24 =	vld.idx.msk [tilespmem:v23+s18+$0x0], $0xffff  }
0x57: {  	v23 =	vld.idx.msk [tilespmem:v23+s19+$0x0], $0xffff;
	_ =	sdelay $0x1  }
0x58: {  	v25 =	vld.idx.msk [tilespmem:v19+s13+$0x0], $0xffff;
	v62 =	vor.u32 v2, v19  }
0x59: {  	v18 =	vmul.f32 v18, v20;
	_ =	sdelay $0x1  }
0x5a: {  	v16 =	vadd.f32 v22, v16;
	v18 =	vmul.f32 v18, v10;
	v22 =	vmul.f32 v23, v24  }
0x5b: {  	v20 =	vor.u32 v4, v19;
	v19 =	vor.u32 v3, v19  }
0x5c: {  	v26 =	vld.idx.msk [tilespmem:v62+s18+$0x0], $0xffff;
	v16 =	vadd.f32 v18, v16;
	v18 =	vmul.f32 v22, v25  }
0x5d: {  	v23 =	vld.idx.msk [tilespmem:v17+s18+$0x0], $0xffff  }
0x5e: {  	v17 =	vld.idx.msk [tilespmem:v17+s19+$0x0], $0xffff;
	v16 =	vadd.f32 v18, v16  }
0x5f: {  	v24 =	vld.idx.msk [tilespmem:v62+s19+$0x0], $0xffff  }
0x60: {  	v27 =	vld.idx.msk [tilespmem:v19+s18+$0x0], $0xffff;
	v16 =	vadd.f32 v16, v5  }
0x61: {  	v19 =	vld.idx.msk [tilespmem:v19+s19+$0x0], $0xffff  }
0x62: {  	v22 =	vld.idx.msk [tilespmem:v15+s18+$0x0], $0xffff;
	v16 =	vsub.f32 $0.0e+00, v16  }
0x63: {  	v15 =	vld.idx.msk [tilespmem:v15+s19+$0x0], $0xffff  }
0x64: {  	s15 =	simm.s32 @!p0 $0xD;
	v18 =	vld.idx.msk [tilespmem:v20+s18+$0x0], $0xffff;
	v16 =	vmul.f32 $1.442695020e+00, v16  }
0x65: {  	v21 =	vmul.f32 v21, v8;
	v20 =	vld.idx.msk [tilespmem:v20+s19+$0x0], $0xffff;
	_ =	swait.ge @!p0 [sflag:s15], $0x40;
	v17 =	vmul.f32 v17, v23  }
0x66: {  	(erf) = vpow2.f32 v16  }
0x67: {  	v14 =	vadd.f32 v21, v14;
	v16 =	vmul.f32 v17, v10;
	v17 =	vmul.f32 v24, v26;
	_ =	sdelay $0x1  }
0x68: {  	v14 =	vadd.f32 v16, v14;
	v16 =	vmul.f32 v17, v25;
	_ =	sdelay $0x1  }
0x69: {  	v14 =	vadd.f32 v16, v14;
	_ =	sdelay $0x1  }
0x6a: {  	v14 =	vadd.f32 v14, v5;
	_ =	sdelay $0x1  }
0x6b: {  	v11 =	vmul.f32 v13, v11;
	v14 =	vsub.f32 $0.0e+00, v14;
	v13 =	vpop (erf)  }
0x6c: {  	v13 =	vadd.f32 $1.000000000e+00, v13  }
0x6d: {  	v8 =	vmul.f32 v11, v8;
	v11 =	vmul.f32 $1.442695020e+00, v14  }
0x6e: {  	v14 =	vmul.f32 v15, v22;
	(erf) = vrcp.f32 v13  }
0x6f: {  	(erf) = vpow2.f32 v11  }
0x70: {  	v8 =	vadd.f32 v8, v12;
	v12 =	vmul.f32 v19, v27;
	v11 =	vmul.f32 v14, v10;
	_ =	sdelay $0x1  }
0x71: {  	v8 =	vadd.f32 v11, v8;
	v11 =	vmul.f32 v12, v25;
	_ =	sdelay $0x1  }
0x72: {  	v8 =	vadd.f32 v11, v8;
	_ =	sdelay $0x1  }
0x73: {  	v8 =	vadd.f32 v8, v5  }
0x74: {  	v11 =	vpop (erf)  }
0x75: {  	v8 =	vsub.f32 $0.0e+00, v8;
	v12 =	vpop (erf)  }
0x76: {  	v12 =	vadd.f32 $1.000000000e+00, v12  }
0x77: {  	v8 =	vmul.f32 $1.442695020e+00, v8  }
0x78: {  	v7 =	vmul.f32 v9, v7;
	(erf) = vrcp.f32 v12  }
0x79: {  	(erf) = vpow2.f32 v8  }
0x7a: {  	v7 =	vmul.f32 v7, v10;
	v8 =	vmul.f32 v20, v18;
	_ =	sdelay $0x1  }
0x7b: {  	v6 =	vadd.f32 v7, v6;
	v7 =	vmul.f32 v8, v25;
	_ =	sdelay $0x1  }
0x7c: {  	v6 =	vadd.f32 v7, v6;
	_ =	sdelay $0x1  }
0x7d: {  	v6 =	vadd.f32 v6, v5  }
0x7e: {  	v7 =	vpop (erf)  }
0x7f: {  	v6 =	vsub.f32 $0.0e+00, v6;
	v8 =	vpop (erf)  }
0x80: {  	v8 =	vadd.f32 $1.000000000e+00, v8  }
0x81: {  	v6 =	vmul.f32 $1.442695020e+00, v6  }
0x82: {  	(erf) = vrcp.f32 v8  }
0x83: {  	(erf) = vpow2.f32 v6;
	_ =	sdelay $0x7  }
0x84: {  	v6 =	vpop (erf)  }
0x85: {  	v8 =	vpop (erf)  }
0x86: {  	v8 =	vadd.f32 $1.000000000e+00, v8;
	_ =	sdelay $0x1  }
0x87: {  	(erf) = vrcp.f32 v8;
	_ =	sdelay $0x4  }
0x88: {  	[sflag:s15] =	ssyncset.done @!p0 $0x0  }
0x89: {  	[sflag:s15] =	ssyncadd.s32 @!p0 $0xFFFFFFC0  }
0x8a: {  	[tilespmem:$0x10500] =	vst v11  }
0x8b: {  	s3 =	sor.u32 s8, s28;
	[tilespmem:$0x10510] =	vst v7  }
0x8c: {  	s28 =	sshrl.u32 s3, $0x3;
	[tilespmem:$0x10520] =	vst v6;
	v6 =	vpop (erf)  }
0x8d: {  	s3 =	simm.s32 $0x10500;
	s15 =	sadd.s32 s6, s28;
	[tilespmem:$0x10530] =	vst v6  }
0x8e: {  	[hbm4b:s15+s7] =	stream.linear.scatter [tilespmem:s3], [sflag:$0xD], $0x40, $0x38;
	[tilespmem:$0x10700] =	vst v63  }
0x8f: {  	s29 =	simm.s32 @p0 $0x100;
	s15 =	simm.s32 @p0 $0x40;
	s3 =	simm.s32 @p0 $0x500  }
0x90: {  	[tilespmem:s3], [sflag:$0x5] =	stream.indirect.gather @p0 [hbm4b:s1+s15], $0x80, s29, s15, $0xb8;
	[tilespmem:$0x10700] =	vst v63  }
0x91: {  	s23 =	simm.s32 $0x0;
	s3 =	simm.s32 @p0 $0x300;
	s29 =	simm.s32 @p0 $0x8500  }
0x92: {  	v6 =	vadd.s32 s23, v0;
	[tilespmem:s29], [sflag:$0x9] =	stream.indirect.gather @p0 [hbm4b:s2+s15], $0x80, s3, s15, $0xb8;
	[tilespmem:$0x10700] =	vst v63  }
0x93: {  	v6 =	vand.u32 $0x7F, v6;
	_ =	swait.ge [sflag:s4], $0x2000  }
0x94: {  	v7 =	vor.u32 v4, v6;
	[sflag:s4] =	ssyncset.done $0x0  }
0x95: {  	[sflag:s4] =	ssyncadd.s32 $0xFFFFE000  }
0x96: {  	v9 =	vor.u32 v1, v6;
	_ =	swait.ge [sflag:s21], $0x2000  }
0x97: {  	[sflag:s21] =	ssyncset.done $0x0  }
0x98: {  	[sflag:s21] =	ssyncadd.s32 $0xFFFFE000  }
0x99: {  	v10 =	vor.u32 v2, v6;
	v12 =	vld.idx.msk [tilespmem:v7+s20+$0x0], $0xffff  }
0x9a: {  	s15 =	simm.s32 $0x1;
	v7 =	vld.idx.msk [tilespmem:v7+s22+$0x0], $0xffff  }
0x9b: {  	v13 =	vor.u32 v3, v6;
	v8 =	vadd.s32 s15, v0;
	v14 =	vld.idx.msk [tilespmem:v9+s20+$0x0], $0xffff  }
0x9c: {  	v21 =	vand.u32 $0x7F, v8;
	v8 =	vld.idx.msk [tilespmem:v6+s13+$0x0], $0xffff  }
0x9d: {  	v18 =	vor.u32 v1, v21;
	v9 =	vld.idx.msk [tilespmem:v9+s22+$0x0], $0xffff  }
0x9e: {  	v6 =	vor.u32 v4, v21;
	v23 =	vld.idx.msk [tilespmem:v10+s20+$0x0], $0xffff  }
0x9f: {  	v63 =	vld.idx.msk [tilespmem:v10+s22+$0x0], $0xffff  }
0xa0: {  	v11 =	vld.idx.msk [tilespmem:v13+s20+$0x0], $0xffff  }
0xa1: {  	v13 =	vld.idx.msk [tilespmem:v13+s22+$0x0], $0xffff;
	v10 =	vmul.f32 v7, v12  }
0xa2: {  	v16 =	vimm.f32 $0.0e+00;
	s23 =	simm.s32 $0x2;
	v17 =	vor.u32 v2, v21;
	v20 =	vld.idx.msk [tilespmem:v18+s20+$0x0], $0xffff;
	v12 =	vmul.f32 v9, v14  }
0xa3: {  	v15 =	vor.u32 v3, v21;
	v7 =	vld.idx.msk [tilespmem:v6+s20+$0x0], $0xffff;
	v14 =	vadd.s32 s23, v0;
	v10 =	vmul.f32 v10, v8  }
0xa4: {  	v9 =	vld.idx.msk [tilespmem:v6+s22+$0x0], $0xffff;
	v19 =	vand.u32 $0x7F, v14;
	v14 =	vimm.f32 $0.0e+00;
	v22 =	vmul.f32 v12, v8  }
0xa5: {  	s29 =	simm.s32 $0x3;
	v12 =	vimm.f32 $0.0e+00;
	v6 =	vadd.f32 v10, v16;
	v10 =	vld.idx.msk [tilespmem:v21+s13+$0x0], $0xffff;
	v21 =	vmul.f32 v63, v23  }
.LBB2_5:
0xa6: {  	p1 =	sne.s32 s29, $0x7F;
	v23 =	vor.u32 v2, v19;
	v24 =	vor.u32 v4, v19;
	v25 =	vld.idx.msk [tilespmem:v18+s22+$0x0], $0xffff;
	v18 =	vor.u32 v1, v19  }
0xa7: {  	v26 =	vor.u32 v3, v19;
	v13 =	vmul.f32 v13, v11;
	v27 =	vld.idx.msk [tilespmem:v17+s20+$0x0], $0xffff;
	v21 =	vmul.f32 v21, v8  }
0xa8: {  	v16 =	vadd.f32 v22, v16;
	v28 =	vld.idx.msk [tilespmem:v17+s22+$0x0], $0xffff;
	v17 =	vmov v23  }
0xa9: {  	v9 =	vmul.f32 v9, v7;
	v22 =	vmul.f32 v13, v8;
	v11 =	vld.idx.msk [tilespmem:v15+s20+$0x0], $0xffff;
	v14 =	vadd.f32 v21, v14  }
.Ltmp1:
0xaa: {  	v13 =	vld.idx.msk [tilespmem:v15+s22+$0x0], $0xffff;
	v15 =	vmov v26;
	(pc) =	sbr.rel @p1 .LBB2_5-.Ltmp1, $4  }
0xab: {  	v21 =	vmul.f32 v9, v10;
	v12 =	vadd.f32 v22, v12;
	v8 =	vmov v10;
	v7 =	vld.idx.msk [tilespmem:v24+s20+$0x0], $0xffff  }
0xac: {  	v22 =	vmul.f32 v25, v20;
	v9 =	vld.idx.msk [tilespmem:v24+s22+$0x0], $0xffff  }
0xad: {  	v23 =	vadd.s32 s29, v0;
	v6 =	vadd.f32 v21, v6;
	v20 =	vld.idx.msk [tilespmem:v18+s20+$0x0], $0xffff  }
0xae: {  	s29 =	sadd.s32 $0x1, s29;
	v22 =	vmul.f32 v22, v8;
	v21 =	vmul.f32 v28, v27;
	v10 =	vld.idx.msk [tilespmem:v19+s13+$0x0], $0xffff;
	v19 =	vand.u32 $0x7F, v23  }
0xaf: {  	v23 =	vor.u32 v1, v19;
	_ =	sdelay $0x3  }
0xb0: {  	v18 =	vld.idx.msk [tilespmem:v18+s22+$0x0], $0xffff  }
0xb1: {  	v24 =	vld.idx.msk [tilespmem:v23+s20+$0x0], $0xffff  }
0xb2: {  	v23 =	vld.idx.msk [tilespmem:v23+s22+$0x0], $0xffff;
	_ =	sdelay $0x1  }
0xb3: {  	v25 =	vld.idx.msk [tilespmem:v19+s13+$0x0], $0xffff;
	v62 =	vor.u32 v2, v19  }
0xb4: {  	v18 =	vmul.f32 v18, v20;
	_ =	sdelay $0x1  }
0xb5: {  	v16 =	vadd.f32 v22, v16;
	v18 =	vmul.f32 v18, v10;
	v22 =	vmul.f32 v23, v24  }
0xb6: {  	v20 =	vor.u32 v4, v19;
	v19 =	vor.u32 v3, v19  }
0xb7: {  	v26 =	vld.idx.msk [tilespmem:v62+s20+$0x0], $0xffff;
	v16 =	vadd.f32 v18, v16;
	v18 =	vmul.f32 v22, v25  }
0xb8: {  	v23 =	vld.idx.msk [tilespmem:v17+s20+$0x0], $0xffff  }
0xb9: {  	v17 =	vld.idx.msk [tilespmem:v17+s22+$0x0], $0xffff;
	v16 =	vadd.f32 v18, v16  }
0xba: {  	v24 =	vld.idx.msk [tilespmem:v62+s22+$0x0], $0xffff  }
0xbb: {  	v27 =	vld.idx.msk [tilespmem:v19+s20+$0x0], $0xffff;
	v16 =	vadd.f32 v16, v5  }
0xbc: {  	v19 =	vld.idx.msk [tilespmem:v19+s22+$0x0], $0xffff  }
0xbd: {  	v22 =	vld.idx.msk [tilespmem:v15+s20+$0x0], $0xffff;
	v16 =	vsub.f32 $0.0e+00, v16  }
0xbe: {  	v15 =	vld.idx.msk [tilespmem:v15+s22+$0x0], $0xffff  }
0xbf: {  	s3 =	simm.s32 @!p0 $0xE;
	v18 =	vld.idx.msk [tilespmem:v20+s20+$0x0], $0xffff;
	v16 =	vmul.f32 $1.442695020e+00, v16  }
0xc0: {  	v21 =	vmul.f32 v21, v8;
	v20 =	vld.idx.msk [tilespmem:v20+s22+$0x0], $0xffff;
	_ =	swait.ge @!p0 [sflag:s3], $0x40;
	v17 =	vmul.f32 v17, v23  }
0xc1: {  	(erf) = vpow2.f32 v16  }
0xc2: {  	v14 =	vadd.f32 v21, v14;
	v16 =	vmul.f32 v17, v10;
	v17 =	vmul.f32 v24, v26;
	_ =	sdelay $0x1  }
0xc3: {  	v14 =	vadd.f32 v16, v14;
	v16 =	vmul.f32 v17, v25;
	_ =	sdelay $0x1  }
0xc4: {  	v14 =	vadd.f32 v16, v14;
	_ =	sdelay $0x1  }
0xc5: {  	v14 =	vadd.f32 v14, v5;
	_ =	sdelay $0x1  }
0xc6: {  	v11 =	vmul.f32 v13, v11;
	v14 =	vsub.f32 $0.0e+00, v14;
	v13 =	vpop (erf)  }
0xc7: {  	v13 =	vadd.f32 $1.000000000e+00, v13  }
0xc8: {  	v8 =	vmul.f32 v11, v8;
	v11 =	vmul.f32 $1.442695020e+00, v14  }
0xc9: {  	v14 =	vmul.f32 v15, v22;
	(erf) = vrcp.f32 v13  }
0xca: {  	(erf) = vpow2.f32 v11  }
0xcb: {  	v8 =	vadd.f32 v8, v12;
	v12 =	vmul.f32 v19, v27;
	v11 =	vmul.f32 v14, v10;
	_ =	sdelay $0x1  }
0xcc: {  	v8 =	vadd.f32 v11, v8;
	v11 =	vmul.f32 v12, v25;
	_ =	sdelay $0x1  }
0xcd: {  	v8 =	vadd.f32 v11, v8;
	_ =	sdelay $0x1  }
0xce: {  	v8 =	vadd.f32 v8, v5  }
0xcf: {  	v11 =	vpop (erf)  }
0xd0: {  	v8 =	vsub.f32 $0.0e+00, v8;
	v12 =	vpop (erf)  }
0xd1: {  	v12 =	vadd.f32 $1.000000000e+00, v12  }
0xd2: {  	v8 =	vmul.f32 $1.442695020e+00, v8  }
0xd3: {  	v7 =	vmul.f32 v9, v7;
	(erf) = vrcp.f32 v12  }
0xd4: {  	(erf) = vpow2.f32 v8  }
0xd5: {  	v7 =	vmul.f32 v7, v10;
	v8 =	vmul.f32 v20, v18;
	_ =	sdelay $0x1  }
0xd6: {  	v6 =	vadd.f32 v7, v6;
	v7 =	vmul.f32 v8, v25;
	_ =	sdelay $0x1  }
0xd7: {  	v6 =	vadd.f32 v7, v6;
	_ =	sdelay $0x1  }
0xd8: {  	v6 =	vadd.f32 v6, v5  }
0xd9: {  	v7 =	vpop (erf)  }
0xda: {  	v6 =	vsub.f32 $0.0e+00, v6;
	v8 =	vpop (erf)  }
0xdb: {  	v8 =	vadd.f32 $1.000000000e+00, v8  }
0xdc: {  	v6 =	vmul.f32 $1.442695020e+00, v6  }
0xdd: {  	(erf) = vrcp.f32 v8  }
0xde: {  	(erf) = vpow2.f32 v6;
	_ =	sdelay $0x7  }
0xdf: {  	v6 =	vpop (erf)  }
0xe0: {  	v8 =	vpop (erf)  }
0xe1: {  	v8 =	vadd.f32 $1.000000000e+00, v8;
	_ =	sdelay $0x1  }
0xe2: {  	(erf) = vrcp.f32 v8;
	_ =	sdelay $0x4  }
0xe3: {  	[sflag:s3] =	ssyncset.done @!p0 $0x0  }
0xe4: {  	[sflag:s3] =	ssyncadd.s32 @!p0 $0xFFFFFFC0  }
0xe5: {  	[tilespmem:$0x10580] =	vst v11  }
0xe6: {  	[tilespmem:$0x10590] =	vst v7  }
0xe7: {  	s28 =	sadd.s32 s28, s6;
	[tilespmem:$0x105A0] =	vst v6;
	v6 =	vpop (erf)  }
0xe8: {  	s15 =	simm.s32 $0x10580;
	s23 =	sadd.s32 $0x8, s28;
	[tilespmem:$0x105B0] =	vst v6  }
0xe9: {  	[hbm4b:s23+s7] =	stream.linear.scatter [tilespmem:s15], [sflag:$0xE], $0x40, $0x38;
	[tilespmem:$0x10700] =	vst v63  }
0xea: {  	s3 =	simm.s32 @p0 $0x40;
	s15 =	simm.s32 @p0 $0x140;
	s23 =	simm.s32 @p0 $0x2500  }
0xeb: {  	[tilespmem:s23], [sflag:$0x6] =	stream.indirect.gather @p0 [hbm4b:s1+s3], $0x80, s15, s3, $0xb8;
	[tilespmem:$0x10700] =	vst v63  }
0xec: {  	s29 =	simm.s32 $0x0;
	s15 =	simm.s32 @p0 $0x340;
	s23 =	simm.s32 @p0 $0xA500  }
0xed: {  	v6 =	vadd.s32 s29, v0;
	[tilespmem:s23], [sflag:$0xA] =	stream.indirect.gather @p0 [hbm4b:s2+s3], $0x80, s15, s3, $0xb8;
	[tilespmem:$0x10700] =	vst v63  }
0xee: {  	v6 =	vand.u32 $0x7F, v6;
	_ =	swait.ge [sflag:s25], $0x2000  }
0xef: {  	v7 =	vor.u32 v4, v6;
	[sflag:s25] =	ssyncset.done $0x0  }
0xf0: {  	[sflag:s25] =	ssyncadd.s32 $0xFFFFE000  }
0xf1: {  	v9 =	vor.u32 v1, v6;
	_ =	swait.ge [sflag:s12], $0x2000  }
0xf2: {  	[sflag:s12] =	ssyncset.done $0x0  }
0xf3: {  	[sflag:s12] =	ssyncadd.s32 $0xFFFFE000  }
0xf4: {  	v10 =	vor.u32 v2, v6;
	v12 =	vld.idx.msk [tilespmem:v7+s24+$0x0], $0xffff  }
0xf5: {  	s15 =	simm.s32 $0x1;
	v7 =	vld.idx.msk [tilespmem:v7+s26+$0x0], $0xffff  }
0xf6: {  	v13 =	vor.u32 v3, v6;
	v8 =	vadd.s32 s15, v0;
	v14 =	vld.idx.msk [tilespmem:v9+s24+$0x0], $0xffff  }
0xf7: {  	v21 =	vand.u32 $0x7F, v8;
	v8 =	vld.idx.msk [tilespmem:v6+s13+$0x0], $0xffff  }
0xf8: {  	v18 =	vor.u32 v1, v21;
	v9 =	vld.idx.msk [tilespmem:v9+s26+$0x0], $0xffff  }
0xf9: {  	v6 =	vor.u32 v4, v21;
	v23 =	vld.idx.msk [tilespmem:v10+s24+$0x0], $0xffff  }
0xfa: {  	v63 =	vld.idx.msk [tilespmem:v10+s26+$0x0], $0xffff  }
0xfb: {  	v11 =	vld.idx.msk [tilespmem:v13+s24+$0x0], $0xffff  }
0xfc: {  	v13 =	vld.idx.msk [tilespmem:v13+s26+$0x0], $0xffff;
	v10 =	vmul.f32 v7, v12  }
0xfd: {  	v16 =	vimm.f32 $0.0e+00;
	s23 =	simm.s32 $0x2;
	v17 =	vor.u32 v2, v21;
	v20 =	vld.idx.msk [tilespmem:v18+s24+$0x0], $0xffff;
	v12 =	vmul.f32 v9, v14  }
0xfe: {  	v15 =	vor.u32 v3, v21;
	v7 =	vld.idx.msk [tilespmem:v6+s24+$0x0], $0xffff;
	v14 =	vadd.s32 s23, v0;
	v10 =	vmul.f32 v10, v8  }
0xff: {  	v9 =	vld.idx.msk [tilespmem:v6+s26+$0x0], $0xffff;
	v19 =	vand.u32 $0x7F, v14;
	v14 =	vimm.f32 $0.0e+00;
	v22 =	vmul.f32 v12, v8  }
0x100: {  	s29 =	simm.s32 $0x3;
	v12 =	vimm.f32 $0.0e+00;
	v6 =	vadd.f32 v10, v16;
	v10 =	vld.idx.msk [tilespmem:v21+s13+$0x0], $0xffff;
	v21 =	vmul.f32 v63, v23  }
.LBB2_7:
0x101: {  	p1 =	sne.s32 s29, $0x7F;
	v23 =	vor.u32 v2, v19;
	v24 =	vor.u32 v4, v19;
	v25 =	vld.idx.msk [tilespmem:v18+s26+$0x0], $0xffff;
	v18 =	vor.u32 v1, v19  }
0x102: {  	v26 =	vor.u32 v3, v19;
	v13 =	vmul.f32 v13, v11;
	v27 =	vld.idx.msk [tilespmem:v17+s24+$0x0], $0xffff;
	v21 =	vmul.f32 v21, v8  }
0x103: {  	v16 =	vadd.f32 v22, v16;
	v28 =	vld.idx.msk [tilespmem:v17+s26+$0x0], $0xffff;
	v17 =	vmov v23  }
0x104: {  	v9 =	vmul.f32 v9, v7;
	v22 =	vmul.f32 v13, v8;
	v11 =	vld.idx.msk [tilespmem:v15+s24+$0x0], $0xffff;
	v14 =	vadd.f32 v21, v14  }
.Ltmp2:
0x105: {  	v13 =	vld.idx.msk [tilespmem:v15+s26+$0x0], $0xffff;
	v15 =	vmov v26;
	(pc) =	sbr.rel @p1 .LBB2_7-.Ltmp2, $4  }
0x106: {  	v21 =	vmul.f32 v9, v10;
	v12 =	vadd.f32 v22, v12;
	v8 =	vmov v10;
	v7 =	vld.idx.msk [tilespmem:v24+s24+$0x0], $0xffff  }
0x107: {  	v22 =	vmul.f32 v25, v20;
	v9 =	vld.idx.msk [tilespmem:v24+s26+$0x0], $0xffff  }
0x108: {  	v23 =	vadd.s32 s29, v0;
	v6 =	vadd.f32 v21, v6;
	v20 =	vld.idx.msk [tilespmem:v18+s24+$0x0], $0xffff  }
0x109: {  	s29 =	sadd.s32 $0x1, s29;
	v22 =	vmul.f32 v22, v8;
	v21 =	vmul.f32 v28, v27;
	v10 =	vld.idx.msk [tilespmem:v19+s13+$0x0], $0xffff;
	v19 =	vand.u32 $0x7F, v23  }
0x10a: {  	v23 =	vor.u32 v1, v19;
	_ =	sdelay $0x3  }
0x10b: {  	v18 =	vld.idx.msk [tilespmem:v18+s26+$0x0], $0xffff  }
0x10c: {  	v24 =	vld.idx.msk [tilespmem:v23+s24+$0x0], $0xffff  }
0x10d: {  	v23 =	vld.idx.msk [tilespmem:v23+s26+$0x0], $0xffff;
	_ =	sdelay $0x1  }
0x10e: {  	v25 =	vld.idx.msk [tilespmem:v19+s13+$0x0], $0xffff;
	v62 =	vor.u32 v2, v19  }
0x10f: {  	v18 =	vmul.f32 v18, v20;
	_ =	sdelay $0x1  }
0x110: {  	v16 =	vadd.f32 v22, v16;
	v18 =	vmul.f32 v18, v10;
	v22 =	vmul.f32 v23, v24  }
0x111: {  	v20 =	vor.u32 v4, v19;
	v19 =	vor.u32 v3, v19  }
0x112: {  	v26 =	vld.idx.msk [tilespmem:v62+s24+$0x0], $0xffff;
	v16 =	vadd.f32 v18, v16;
	v18 =	vmul.f32 v22, v25  }
0x113: {  	v23 =	vld.idx.msk [tilespmem:v17+s24+$0x0], $0xffff  }
0x114: {  	v17 =	vld.idx.msk [tilespmem:v17+s26+$0x0], $0xffff;
	v16 =	vadd.f32 v18, v16  }
0x115: {  	v24 =	vld.idx.msk [tilespmem:v62+s26+$0x0], $0xffff  }
0x116: {  	v27 =	vld.idx.msk [tilespmem:v19+s24+$0x0], $0xffff;
	v16 =	vadd.f32 v16, v5  }
0x117: {  	v19 =	vld.idx.msk [tilespmem:v19+s26+$0x0], $0xffff  }
0x118: {  	v22 =	vld.idx.msk [tilespmem:v15+s24+$0x0], $0xffff;
	v16 =	vsub.f32 $0.0e+00, v16  }
0x119: {  	v15 =	vld.idx.msk [tilespmem:v15+s26+$0x0], $0xffff  }
0x11a: {  	s3 =	simm.s32 @!p0 $0xF;
	v18 =	vld.idx.msk [tilespmem:v20+s24+$0x0], $0xffff;
	v16 =	vmul.f32 $1.442695020e+00, v16  }
0x11b: {  	v21 =	vmul.f32 v21, v8;
	v20 =	vld.idx.msk [tilespmem:v20+s26+$0x0], $0xffff;
	_ =	swait.ge @!p0 [sflag:s3], $0x40;
	v17 =	vmul.f32 v17, v23  }
0x11c: {  	(erf) = vpow2.f32 v16  }
0x11d: {  	v14 =	vadd.f32 v21, v14;
	v16 =	vmul.f32 v17, v10;
	v17 =	vmul.f32 v24, v26;
	_ =	sdelay $0x1  }
0x11e: {  	v14 =	vadd.f32 v16, v14;
	v16 =	vmul.f32 v17, v25;
	_ =	sdelay $0x1  }
0x11f: {  	v14 =	vadd.f32 v16, v14;
	_ =	sdelay $0x1  }
0x120: {  	v14 =	vadd.f32 v14, v5;
	_ =	sdelay $0x1  }
0x121: {  	v11 =	vmul.f32 v13, v11;
	v14 =	vsub.f32 $0.0e+00, v14;
	v13 =	vpop (erf)  }
0x122: {  	v13 =	vadd.f32 $1.000000000e+00, v13  }
0x123: {  	v8 =	vmul.f32 v11, v8;
	v11 =	vmul.f32 $1.442695020e+00, v14  }
0x124: {  	v14 =	vmul.f32 v15, v22;
	(erf) = vrcp.f32 v13  }
0x125: {  	(erf) = vpow2.f32 v11  }
0x126: {  	v8 =	vadd.f32 v8, v12;
	v12 =	vmul.f32 v19, v27;
	v11 =	vmul.f32 v14, v10;
	_ =	sdelay $0x1  }
0x127: {  	v8 =	vadd.f32 v11, v8;
	v11 =	vmul.f32 v12, v25;
	_ =	sdelay $0x1  }
0x128: {  	v8 =	vadd.f32 v11, v8;
	_ =	sdelay $0x1  }
0x129: {  	v8 =	vadd.f32 v8, v5  }
0x12a: {  	v11 =	vpop (erf)  }
0x12b: {  	v8 =	vsub.f32 $0.0e+00, v8;
	v12 =	vpop (erf)  }
0x12c: {  	v12 =	vadd.f32 $1.000000000e+00, v12  }
0x12d: {  	v8 =	vmul.f32 $1.442695020e+00, v8  }
0x12e: {  	v7 =	vmul.f32 v9, v7;
	(erf) = vrcp.f32 v12  }
0x12f: {  	(erf) = vpow2.f32 v8  }
0x130: {  	v7 =	vmul.f32 v7, v10;
	v8 =	vmul.f32 v20, v18;
	_ =	sdelay $0x1  }
0x131: {  	v6 =	vadd.f32 v7, v6;
	v7 =	vmul.f32 v8, v25;
	_ =	sdelay $0x1  }
0x132: {  	v6 =	vadd.f32 v7, v6;
	_ =	sdelay $0x1  }
0x133: {  	v6 =	vadd.f32 v6, v5  }
0x134: {  	v7 =	vpop (erf)  }
0x135: {  	v6 =	vsub.f32 $0.0e+00, v6;
	v8 =	vpop (erf)  }
0x136: {  	v8 =	vadd.f32 $1.000000000e+00, v8  }
0x137: {  	v6 =	vmul.f32 $1.442695020e+00, v6  }
0x138: {  	(erf) = vrcp.f32 v8  }
0x139: {  	(erf) = vpow2.f32 v6;
	_ =	sdelay $0x7  }
0x13a: {  	v6 =	vpop (erf)  }
0x13b: {  	v8 =	vpop (erf)  }
0x13c: {  	v8 =	vadd.f32 $1.000000000e+00, v8;
	_ =	sdelay $0x1  }
0x13d: {  	(erf) = vrcp.f32 v8;
	_ =	sdelay $0x4  }
0x13e: {  	[sflag:s3] =	ssyncset.done @!p0 $0x0  }
0x13f: {  	[sflag:s3] =	ssyncadd.s32 @!p0 $0xFFFFFFC0  }
0x140: {  	[tilespmem:$0x10600] =	vst v11  }
0x141: {  	[tilespmem:$0x10610] =	vst v7  }
0x142: {  	[tilespmem:$0x10620] =	vst v6;
	v6 =	vpop (erf)  }
0x143: {  	s15 =	sadd.s32 $0x10, s28;
	[tilespmem:$0x10630] =	vst v6  }
0x144: {  	[hbm4b:s15+s7] =	stream.linear.scatter [tilespmem:s14], [sflag:$0xF], $0x40, $0x38;
	[tilespmem:$0x10700] =	vst v63  }
0x145: {  	s23 =	simm.s32 @p0 $0x4500;
	s3 =	simm.s32 @p0 $0x40;
	s15 =	simm.s32 @p0 $0x180  }
0x146: {  	[tilespmem:s23], [sflag:$0x7] =	stream.indirect.gather @p0 [hbm4b:s1+s3], $0x80, s15, s3, $0xb8;
	[tilespmem:$0x10700] =	vst v63  }
0x147: {  	s28 =	simm.s32 $0x0;
	s15 =	simm.s32 @p0 $0x380;
	s23 =	simm.s32 @p0 $0xC500  }
0x148: {  	v6 =	vadd.s32 s28, v0;
	[tilespmem:s23], [sflag:$0xB] =	stream.indirect.gather @p0 [hbm4b:s2+s3], $0x80, s15, s3, $0xb8;
	[tilespmem:$0x10700] =	vst v63  }
0x149: {  	v6 =	vand.u32 $0x7F, v6;
	_ =	swait.ge [sflag:s9], $0x2000  }
0x14a: {  	v7 =	vor.u32 v4, v6;
	[sflag:s9] =	ssyncset.done $0x0  }
0x14b: {  	[sflag:s9] =	ssyncadd.s32 $0xFFFFE000  }
0x14c: {  	v9 =	vor.u32 v1, v6;
	_ =	swait.ge [sflag:s10], $0x2000  }
0x14d: {  	[sflag:s10] =	ssyncset.done $0x0  }
0x14e: {  	[sflag:s10] =	ssyncadd.s32 $0xFFFFE000  }
0x14f: {  	v10 =	vor.u32 v2, v6;
	v12 =	vld.idx.msk [tilespmem:v7+s30+$0x0], $0xffff  }
0x150: {  	s23 =	simm.s32 $0x1;
	v7 =	vld.idx.msk [tilespmem:v7+s31+$0x0], $0xffff  }
0x151: {  	v13 =	vor.u32 v3, v6;
	v8 =	vadd.s32 s23, v0;
	v14 =	vld.idx.msk [tilespmem:v9+s30+$0x0], $0xffff  }
0x152: {  	v21 =	vand.u32 $0x7F, v8;
	v8 =	vld.idx.msk [tilespmem:v6+s13+$0x0], $0xffff  }
0x153: {  	v18 =	vor.u32 v1, v21;
	v9 =	vld.idx.msk [tilespmem:v9+s31+$0x0], $0xffff  }
0x154: {  	v6 =	vor.u32 v4, v21;
	v23 =	vld.idx.msk [tilespmem:v10+s30+$0x0], $0xffff  }
0x155: {  	v63 =	vld.idx.msk [tilespmem:v10+s31+$0x0], $0xffff  }
0x156: {  	v11 =	vld.idx.msk [tilespmem:v13+s30+$0x0], $0xffff  }
0x157: {  	v13 =	vld.idx.msk [tilespmem:v13+s31+$0x0], $0xffff;
	v10 =	vmul.f32 v7, v12  }
0x158: {  	s29 =	simm.s32 $0x2;
	v16 =	vimm.f32 $0.0e+00;
	v17 =	vor.u32 v2, v21;
	v20 =	vld.idx.msk [tilespmem:v18+s30+$0x0], $0xffff;
	v12 =	vmul.f32 v9, v14  }
0x159: {  	v15 =	vor.u32 v3, v21;
	v7 =	vld.idx.msk [tilespmem:v6+s30+$0x0], $0xffff;
	v14 =	vadd.s32 s29, v0;
	v10 =	vmul.f32 v10, v8  }
0x15a: {  	v9 =	vld.idx.msk [tilespmem:v6+s31+$0x0], $0xffff;
	v19 =	vand.u32 $0x7F, v14;
	v14 =	vimm.f32 $0.0e+00;
	v22 =	vmul.f32 v12, v8  }
0x15b: {  	s28 =	simm.s32 $0x3;
	v12 =	vimm.f32 $0.0e+00;
	v6 =	vadd.f32 v10, v16;
	v10 =	vld.idx.msk [tilespmem:v21+s13+$0x0], $0xffff;
	v21 =	vmul.f32 v63, v23  }
.LBB2_9:
0x15c: {  	p1 =	sne.s32 s28, $0x7F;
	v23 =	vor.u32 v2, v19;
	v24 =	vor.u32 v4, v19;
	v25 =	vld.idx.msk [tilespmem:v18+s31+$0x0], $0xffff;
	v18 =	vor.u32 v1, v19  }
0x15d: {  	v26 =	vor.u32 v3, v19;
	v13 =	vmul.f32 v13, v11;
	v27 =	vld.idx.msk [tilespmem:v17+s30+$0x0], $0xffff;
	v21 =	vmul.f32 v21, v8  }
0x15e: {  	v16 =	vadd.f32 v22, v16;
	v28 =	vld.idx.msk [tilespmem:v17+s31+$0x0], $0xffff;
	v17 =	vmov v23  }
0x15f: {  	v9 =	vmul.f32 v9, v7;
	v22 =	vmul.f32 v13, v8;
	v11 =	vld.idx.msk [tilespmem:v15+s30+$0x0], $0xffff;
	v14 =	vadd.f32 v21, v14  }
.Ltmp3:
0x160: {  	v13 =	vld.idx.msk [tilespmem:v15+s31+$0x0], $0xffff;
	v15 =	vmov v26;
	(pc) =	sbr.rel @p1 .LBB2_9-.Ltmp3, $4  }
0x161: {  	v21 =	vmul.f32 v9, v10;
	v12 =	vadd.f32 v22, v12;
	v8 =	vmov v10;
	v7 =	vld.idx.msk [tilespmem:v24+s30+$0x0], $0xffff  }
0x162: {  	v22 =	vmul.f32 v25, v20;
	v9 =	vld.idx.msk [tilespmem:v24+s31+$0x0], $0xffff  }
0x163: {  	v23 =	vadd.s32 s28, v0;
	v6 =	vadd.f32 v21, v6;
	v20 =	vld.idx.msk [tilespmem:v18+s30+$0x0], $0xffff  }
0x164: {  	s28 =	sadd.s32 $0x1, s28;
	v22 =	vmul.f32 v22, v8;
	v21 =	vmul.f32 v28, v27;
	v10 =	vld.idx.msk [tilespmem:v19+s13+$0x0], $0xffff;
	v19 =	vand.u32 $0x7F, v23  }
0x165: {  	v23 =	vor.u32 v1, v19;
	_ =	sdelay $0x3  }
0x166: {  	v18 =	vld.idx.msk [tilespmem:v18+s31+$0x0], $0xffff  }
0x167: {  	v24 =	vld.idx.msk [tilespmem:v23+s30+$0x0], $0xffff  }
0x168: {  	v23 =	vld.idx.msk [tilespmem:v23+s31+$0x0], $0xffff;
	_ =	sdelay $0x1  }
0x169: {  	v25 =	vld.idx.msk [tilespmem:v19+s13+$0x0], $0xffff  }
0x16a: {  	v18 =	vmul.f32 v18, v20;
	_ =	sdelay $0x1  }
0x16b: {  	v16 =	vadd.f32 v22, v16;
	v18 =	vmul.f32 v18, v10;
	v40 =	vmul.f32 v23, v24  }
0x16c: {  	v39 =	vor.u32 v4, v19  }
0x16d: {  	v41 =	vld.idx.msk [tilespmem:v17+s30+$0x0], $0xffff;
	v42 =	vor.u32 v2, v19;
	v16 =	vadd.f32 v18, v16;
	v44 =	vmul.f32 v40, v25  }
0x16e: {  	v43 =	vld.idx.msk [tilespmem:v17+s31+$0x0], $0xffff  }
0x16f: {  	v45 =	vld.idx.msk [tilespmem:v15+s30+$0x0], $0xffff;
	v16 =	vadd.f32 v44, v16  }
0x170: {  	v46 =	vor.u32 v3, v19;
	v47 =	vld.idx.msk [tilespmem:v15+s31+$0x0], $0xffff  }
0x171: {  	v48 =	vld.idx.msk [tilespmem:v39+s30+$0x0], $0xffff;
	v16 =	vadd.f32 v16, v5  }
0x172: {  	v26 =	vld.idx.msk [tilespmem:v42+s30+$0x0], $0xffff  }
0x173: {  	v24 =	vld.idx.msk [tilespmem:v42+s31+$0x0], $0xffff;
	v16 =	vsub.f32 $0.0e+00, v16  }
0x174: {  	v20 =	vld.idx.msk [tilespmem:v39+s31+$0x0], $0xffff  }
0x175: {  	s3 =	simm.s32 @!p0 $0x10;
	v27 =	vld.idx.msk [tilespmem:v46+s30+$0x0], $0xffff;
	v16 =	vmul.f32 $1.442695020e+00, v16  }
0x176: {  	v21 =	vmul.f32 v21, v8;
	v19 =	vld.idx.msk [tilespmem:v46+s31+$0x0], $0xffff;
	v17 =	vmul.f32 v43, v41;
	_ =	swait.ge @!p0 [sflag:s3], $0x40  }
0x177: {  	(erf) = vpow2.f32 v16  }
0x178: {  	v14 =	vadd.f32 v21, v14;
	v49 =	vmul.f32 v17, v10;
	v50 =	vmul.f32 v24, v26;
	_ =	sdelay $0x1  }
0x179: {  	v14 =	vadd.f32 v49, v14;
	v51 =	vmul.f32 v50, v25;
	_ =	sdelay $0x1  }
0x17a: {  	v14 =	vadd.f32 v51, v14;
	_ =	sdelay $0x1  }
0x17b: {  	v14 =	vadd.f32 v14, v5;
	_ =	sdelay $0x1  }
0x17c: {  	v11 =	vmul.f32 v13, v11;
	v14 =	vsub.f32 $0.0e+00, v14;
	v52 =	vpop (erf)  }
0x17d: {  	v13 =	vadd.f32 $1.000000000e+00, v52  }
0x17e: {  	v53 =	vmul.f32 v11, v8;
	v54 =	vmul.f32 $1.442695020e+00, v14  }
0x17f: {  	v55 =	vmul.f32 v47, v45;
	(erf) = vrcp.f32 v13  }
0x180: {  	(erf) = vpow2.f32 v54  }
0x181: {  	v8 =	vadd.f32 v53, v12;
	v56 =	vmul.f32 v55, v10;
	v57 =	vmul.f32 v19, v27;
	_ =	sdelay $0x1  }
0x182: {  	v8 =	vadd.f32 v56, v8;
	v58 =	vmul.f32 v57, v25;
	_ =	sdelay $0x1  }
0x183: {  	v8 =	vadd.f32 v58, v8;
	_ =	sdelay $0x1  }
0x184: {  	v8 =	vadd.f32 v8, v5  }
0x185: {  	v59 =	vpop (erf)  }
0x186: {  	v8 =	vsub.f32 $0.0e+00, v8;
	v60 =	vpop (erf)  }
0x187: {  	v12 =	vadd.f32 $1.000000000e+00, v60  }
0x188: {  	v8 =	vmul.f32 $1.442695020e+00, v8  }
0x189: {  	v7 =	vmul.f32 v9, v7;
	(erf) = vrcp.f32 v12  }
0x18a: {  	(erf) = vpow2.f32 v8  }
0x18b: {  	v7 =	vmul.f32 v7, v10;
	v61 =	vmul.f32 v20, v48;
	_ =	sdelay $0x1  }
0x18c: {  	v6 =	vadd.f32 v7, v6;
	v7 =	vmul.f32 v61, v25;
	_ =	sdelay $0x1  }
0x18d: {  	v6 =	vadd.f32 v7, v6;
	_ =	sdelay $0x1  }
0x18e: {  	v6 =	vadd.f32 v6, v5  }
0x18f: {  	v7 =	vpop (erf)  }
0x190: {  	v6 =	vsub.f32 $0.0e+00, v6;
	v62 =	vpop (erf)  }
0x191: {  	v8 =	vadd.f32 $1.000000000e+00, v62  }
0x192: {  	v6 =	vmul.f32 $1.442695020e+00, v6  }
0x193: {  	(erf) = vrcp.f32 v8  }
0x194: {  	(erf) = vpow2.f32 v6;
	_ =	sdelay $0x7  }
0x195: {  	v6 =	vpop (erf)  }
0x196: {  	v63 =	vpop (erf)  }
0x197: {  	v8 =	vadd.f32 $1.000000000e+00, v63;
	_ =	sdelay $0x1  }
0x198: {  	(erf) = vrcp.f32 v8;
	_ =	sdelay $0x4  }
0x199: {  	[sflag:s3] =	ssyncset.done @!p0 $0x0  }
0x19a: {  	[sflag:s3] =	ssyncadd.s32 @!p0 $0xFFFFFFC0  }
.Ltmp4:
0x19b: {  	[tilespmem:$0x10680] =	vst v59;
	(pc) =	sbr.rel @p0 .LBB2_2-.Ltmp4, $4  }
0x19c: {  	s29 =	sor.u32 s8, s16;
	[tilespmem:$0x10690] =	vst v7  }
0x19d: {  	s3 =	sshrl.u32 s29, $0x3;
	[tilespmem:$0x106A0] =	vst v6;
	v6 =	vpop (erf)  }
0x19e: {  	s28 =	simm.s32 $0x100;
	p1 =	por $0x0, $0x0;
	s3 =	sadd.s32 s6, s3;
	[tilespmem:$0x106B0] =	vst v6  }
0x19f: {  	[hbm4b:s3+s7] =	stream.linear.scatter [tilespmem:s11], [sflag:$0x10], $0x40, $0x38;
	[tilespmem:$0x10700] =	vst v63  }
0x1a0: {  	s3 =	simm.s32 $0xD  }
0x1a1: {  	_ =	swait.ge [sflag:s3], $0x40  }
0x1a2: {  	[sflag:s3] =	ssyncset.done $0x0  }
0x1a3: {  	s23 =	simm.s32 $0xE;
	[sflag:s3] =	ssyncadd.s32 $0xFFFFFFC0  }
0x1a4: {  	_ =	swait.ge [sflag:s23], $0x40  }
0x1a5: {  	[sflag:s23] =	ssyncset.done $0x0  }
0x1a6: {  	s28 =	simm.s32 $0xF;
	[sflag:s23] =	ssyncadd.s32 $0xFFFFFFC0  }
0x1a7: {  	_ =	swait.ge [sflag:s28], $0x40  }
0x1a8: {  	[sflag:s28] =	ssyncset.done $0x0  }
0x1a9: {  	s15 =	simm.s32 $0x10;
	[sflag:s28] =	ssyncadd.s32 $0xFFFFFFC0  }
0x1aa: {  	_ =	swait.ge [sflag:s15], $0x40  }
0x1ab: {  	s16 =	rddreg [dreg:$0xb]  }
0x1ac: {  	s29 =	rddreg [dreg:$0xa];
	s16 =	sadd.s32 $0x1, s16  }
0x1ad: {  	p0 =	sne.s32 s16, s29  }
.Ltmp5:
0x1ae: {  	_ = 	snop;
	(pc) =	sbr.rel @p0 .LBB2_1-.Ltmp5, $3  }
0x1af: {  	_ =	sdelay $0x1  }
0x1b0: {  	[sflag:s15] =	ssyncset.done $0x0  }
0x1b1: {  	[sflag:s15] =	ssyncadd.s32 $0xFFFFFFC0  }
0x1b2: {  	_ =	sfence.sel $0x180000  }
0x1b3: {  	[bflag:$0x0] =	sbarrier.arrive $0xFFFF  }
0x1b4: {  	_ =	strace $0x90000047  }
0x1b5: {  	s0 =	stileid.u32;
	[bflag:$0x2] =	sbarrier.arrive $0xFFFF  }
0x1b6: {  	p0 =	sne.s32 s0, $0x0;
	s0 =	rddreg [dreg:$0x7]  }
0x1b7: {  	s0 =	sadd.s32 @!p0 $0x100000, s0  }
0x1b8: {  	[sflag:s0] =	ssyncadd.tile.s32 @!p0 $0x1;
	_ =	shalt  }
.Lfunc_end2:
_tile_overlayer_lowered:
.L_overlay_start_2:
0x1b9: {  	(tag) =	ssettag $0x2  }
0x1ba: {  	s0 =	rddreg [dreg:$0x0];
	s2 =	stileid.u32  }
0x1bb: {  	s1 =	rddreg [dreg:$0x1];
	p0 =	sne.s32 s2, $0x0  }
0x1bc: {  	s3 =	rddreg [dreg:$0x2];
	[bflag:$0x3] =	sbarrier.arrive $0xFFFF;
	s2 =	simm.s32 @!p0 $0x1C11  }
0x1bd: {  	[timem:s3], [sflag:s2] =	dma.local @!p0 [hbm:s0], s1  }
0x1be: {  	s0 =	simm.s32 @!p0 $0x11  }
0x1bf: {  	_ =	swait.ge @!p0 [sflag:s0], s1  }
0x1c0: {  	s1 =	ssub.s32 @!p0 $0x0, s1;
	[sflag:s0] =	ssyncset.done @!p0 $0x0  }
0x1c1: {  	[sflag:s0] =	ssyncadd.s32 @!p0 s1  }
0x1c2: {  	[bflag:$0x3] =	sbarrier.arrive $0xFFFF  }
0x1c3: {  	_ =	shalt  }

</sc_bundles>
